<compile_context>
chip_gen: v7x
topology: tpu7x:2x2x1
jax: 0.10.2.dev20260603
libtpu: 0.0.44.dev20260713+nightly
codegen_flags: <defaults>
</compile_context>

<pallas_src>
import functools

import jax
import jax.numpy as jnp
from jax import lax
from jax.experimental import pallas as pl
from jax.experimental.pallas import tpu as pltpu
from jax.experimental.pallas import tpu_sc as plsc

NZ = 100001
KB = 25088
NKB = 4
ZP = 100352
B, H, W = 16, 224, 224
HW = H * W
NC, NS = 2, 16
NW = NC * NS
PPW = B * HW // NW
L = 16


ROWS_PER_W = (B * H) // NW
GPR = W // L


def _sc_hist_body(x_hbm, counts_hbm, idx_v, counts_v, sem):
    core = lax.axis_index("c")
    sub = lax.axis_index("s")
    wid = core * NS + sub

    row0 = (wid % B) * H + (wid // B) * ROWS_PER_W

    cp = pltpu.make_async_copy(
        x_hbm.at[pl.ds(row0, ROWS_PER_W), :], idx_v, sem)
    cp.start()

    zeros = jnp.zeros((L,), jnp.float32)

    @plsc.parallel_loop(0, ZP, L, unroll=16)
    def _(i):
        counts_v[pl.ds(i, L)] = zeros

    cp.wait()

    @plsc.parallel_loop(0, ROWS_PER_W, 1)
    def _(r):
        for j in range(GPR):
            z = idx_v[r, pl.ds(j * L, L)] + 1
            cnt, last = plsc.scan_count(z)
            plsc.addupdate_scatter(
                counts_v, [z], cnt.astype(jnp.float32), mask=last)

    pltpu.sync_copy(counts_v, counts_hbm.at[wid])


@functools.partial(jax.jit, static_argnames=())
def _sc_hist(x2d):
    mesh = plsc.VectorSubcoreMesh(
        core_axis_name="c", subcore_axis_name="s",
        num_cores=NC, num_subcores=NS)
    return pl.kernel(
        _sc_hist_body,
        out_type=jax.ShapeDtypeStruct((NW, ZP), jnp.float32),
        mesh=mesh,
        scratch_types=[
            pltpu.VMEM((ROWS_PER_W, W), jnp.int32),
            pltpu.VMEM((ZP,), jnp.float32),
            pltpu.SemaphoreType.DMA,
        ],
        compiler_params=pltpu.CompilerParams(
            needs_layout_passes=False, use_tc_tiling_on_sc=True),
    )(x2d)


def _tc_mm_body(c_ref, t_ref, o_ref):
    k = pl.program_id(0)

    @pl.when(k == 0)
    def _():
        o_ref[...] = jnp.zeros_like(o_ref)

    dn = (((1,), (1,)), ((), ()))

    @pl.when(k < NKB - 1)
    def _():
        c = c_ref[0] + c_ref[1]
        o_ref[...] += lax.dot_general(c, t_ref[...], dn,
                                      preferred_element_type=jnp.float32)

    @pl.when(k == NKB - 1)
    def _():
        c = c_ref[0] + c_ref[1]
        cols = lax.broadcasted_iota(jnp.int32, t_ref.shape, 1) + k * KB
        t = jnp.where(cols < NZ, t_ref[...], 0.0)
        o_ref[...] += lax.dot_general(c, t, dn,
                                      preferred_element_type=jnp.float32)
        o_ref[...] *= jnp.float32(1.0 / HW)


@jax.jit
def _tc_matmul(counts, table):
    cview = counts.reshape(2, B, ZP)
    return pl.pallas_call(
        _tc_mm_body,
        grid=(NKB,),
        in_specs=[
            pl.BlockSpec((2, B, KB), lambda k: (0, 0, k)),
            pl.BlockSpec((64, KB), lambda k: (0, k)),
        ],
        out_specs=pl.BlockSpec((B, 64), lambda k: (0, 0)),
        out_shape=jax.ShapeDtypeStruct((B, 64), jnp.float32),
        compiler_params=pltpu.CompilerParams(
            dimension_semantics=("arbitrary",)),
    )(cview, table.T)


def kernel(x, table):
    counts = _sc_hist(x.reshape(B * H, W))
    return _tc_matmul(counts, table)

# --- scband reference (transcript-rebuilt; emitter-appended) ---
"""Pipeline reference for scband-zone-embedding-block-58282706206834 (READ-ONLY COPY).

The authoritative reference and input builder live on the scoring server;
editing this copy changes nothing except your own understanding.
"""

import jax, jax.numpy as jnp
import numpy as np

NUM_ZONES = 100000
EMBED_DIM = 64
B, H, W = 16, 224, 224


def setup_inputs(seed: int = 0) -> dict:
    key = jax.random.key(seed)
    k1, k2 = jax.random.split(key)
    x = jax.random.randint(k1, (B, H, W), 0, NUM_ZONES, dtype=jnp.int32)
    table = jax.random.normal(k2, (NUM_ZONES + 1, EMBED_DIM), dtype=jnp.float32)
    # padding_idx=0 -> row 0 is zeros, matching nn.Embedding(padding_idx=0) init
    table = table.at[0].set(0.0)
    return {"x": x, "table": table}


def reference(x, table):
    # x = x.long(); x = (x + 1).clamp(0, num_embeddings - 1)
    num_embeddings = table.shape[0]
    idx = jnp.clip(x.astype(jnp.int32) + 1, 0, num_embeddings - 1)
    # out = embedding(x)  -> [B, H, W, D]
    emb = jnp.take(table, idx, axis=0)
    # permute to [B, D, H, W] then AdaptiveAvgPool2d(1) then Flatten(1)
    # == mean over spatial dims -> [B, D]
    out = jnp.mean(emb, axis=(1, 2))
    return out

if __name__ == "__main__":
    import jax
    _d = setup_inputs()
    print(jax.jit(kernel)(*tuple(_d.values())))

</pallas_src>

<mosaic_0001>
#map = affine_map<(d0, d1) -> (0, 0)>
module attributes {stable_mosaic.version = 14 : i64} {
  func.func @_sc_hist_body(%arg0: i32, %arg1: i32, %arg2: memref<3584x224xi32, #tpu.memory_space<hbm>>, %arg3: memref<32x100352xf32, #tpu.memory_space<hbm>>, %arg4: memref<112x224xi32, #tpu.memory_space<vmem>>, %arg5: memref<100352xf32, #tpu.memory_space<vmem>>, %arg6: memref<!tpu.dma_semaphore, #tpu.memory_space<semaphore_mem>>) attributes {dimension_semantics = [#tpu.dimension_semantics<core_parallel>, #tpu.dimension_semantics<subcore_parallel>], iteration_bounds = array<i64: 2, 16>, scalar_prefetch = 0 : i64, scratch_operands = 3 : i64, tpu.core_type = #tpu.core_type<sc_vector_subcore>, window_params = [{transform_indices = #map}, {transform_indices = #map}]} {
    %mul3A = arith.constant 16 : i32
    %mul3A_0 = arith.muli %arg0, %mul3A : i32
    %add3A = arith.addi %mul3A_0, %arg1 : i32
    %jit3A = arith.constant 16 : i32
    %eq3A = arith.constant 0 : i32
    %eq3A_1 = arith.cmpi eq, %jit3A, %eq3A : i32
    %jit3A_2 = arith.constant 1 : i32
    %select_n3A = arith.select %eq3A_1, %jit3A_2, %jit3A : i32
    %rem3A = arith.remsi %add3A, %select_n3A : i32
    %ne3A = arith.constant 0 : i32
    %ne3A_3 = arith.cmpi ne, %rem3A, %ne3A : i32
    %lt3A = arith.constant 0 : i32
    %lt3A_4 = arith.cmpi slt, %rem3A, %lt3A : i32
    %lt3A_5 = arith.constant 0 : i32
    %lt3A_6 = arith.cmpi slt, %select_n3A, %lt3A_5 : i32
    %ne3A_7 = arith.xori %lt3A_4, %lt3A_6 : i1
    %and3A = arith.andi %ne3A_7, %ne3A_3 : i1
    %add3A_8 = arith.addi %rem3A, %select_n3A : i32
    %select_n3A_9 = arith.select %and3A, %add3A_8, %rem3A : i32
    %mul3A_10 = arith.constant 224 : i32
    %mul3A_11 = arith.muli %select_n3A_9, %mul3A_10 : i32
    %jit3A_12 = arith.constant 16 : i32
    %div3A = arith.divsi %add3A, %jit3A_12 : i32
    %sign3A = arith.constant 0 : i32
    %sign3A_13 = arith.cmpi sgt, %add3A, %sign3A : i32
    %sign3A_14 = arith.extui %sign3A_13 : i1 to i32
    %sign3A_15 = arith.constant 0 : i32
    %sign3A_16 = arith.cmpi slt, %add3A, %sign3A_15 : i32
    %sign3A_17 = arith.extui %sign3A_16 : i1 to i32
    %sign3A_18 = arith.subi %sign3A_14, %sign3A_17 : i32
    %sign3A_19 = arith.constant 0 : i32
    %sign3A_20 = arith.cmpi sgt, %jit3A_12, %sign3A_19 : i32
    %sign3A_21 = arith.extui %sign3A_20 : i1 to i32
    %sign3A_22 = arith.constant 0 : i32
    %sign3A_23 = arith.cmpi slt, %jit3A_12, %sign3A_22 : i32
    %sign3A_24 = arith.extui %sign3A_23 : i1 to i32
    %sign3A_25 = arith.subi %sign3A_21, %sign3A_24 : i32
    %ne3A_26 = arith.cmpi ne, %sign3A_18, %sign3A_25 : i32
    %rem3A_27 = arith.remsi %add3A, %jit3A_12 : i32
    %ne3A_28 = arith.constant 0 : i32
    %ne3A_29 = arith.cmpi ne, %rem3A_27, %ne3A_28 : i32
    %and3A_30 = arith.andi %ne3A_26, %ne3A_29 : i1
    %sub3A = arith.constant 1 : i32
    %sub3A_31 = arith.subi %div3A, %sub3A : i32
    %select_n3A_32 = arith.select %and3A_30, %sub3A_31, %div3A : i32
    %mul3A_33 = arith.constant 112 : i32
    %mul3A_34 = arith.muli %select_n3A_32, %mul3A_33 : i32
    %add3A_35 = arith.addi %mul3A_11, %mul3A_34 : i32
    %dma_start3A = arith.constant 0 : i32
    %dma_start3A_36 = tpu.memref_slice %arg2[%add3A_35, %dma_start3A] : memref<3584x224xi32, #tpu.memory_space<hbm>> -> memref<112x224xi32, #tpu.memory_space<hbm>>
    %dma_start3A_37 = arith.constant 0 : i32
    %dma_start3A_38 = tpu.memref_slice %arg2[%add3A_35, %dma_start3A_37] : memref<3584x224xi32, #tpu.memory_space<hbm>> -> memref<112x224xi32, #tpu.memory_space<hbm>>
    tpu.enqueue_dma source(%dma_start3A_38 : memref<112x224xi32, #tpu.memory_space<hbm>>) target(%arg4 : memref<112x224xi32, #tpu.memory_space<vmem>>) target_semaphore(%arg6 : memref<!tpu.dma_semaphore, #tpu.memory_space<semaphore_mem>>)
    %broadcast_in_dim3A = arith.constant 0.000000e+00 : f32
    %broadcast_in_dim3A_39 = vector.broadcast %broadcast_in_dim3A : f32 to vector<16xf32>
    %parallel_loop3A = arith.constant 0 : i32
    %parallel_loop3A_40 = arith.constant 100352 : i32
    %parallel_loop3A_41 = arith.constant 16 : i32
    scf.for %parallel_loop3A_48 = %parallel_loop3A to %parallel_loop3A_40 step %parallel_loop3A_41  : i32 {
      %parallel_loop3A_49 = arith.index_cast %parallel_loop3A_48 : i32 to index
      %parallel_loop3A_50 = tpu.vector_load %arg5[%parallel_loop3A_49] {strides = array<i32>} : memref<100352xf32, #tpu.memory_space<vmem>>, vector<16xf32>,
      tpu.vector_store %arg5[%parallel_loop3A_49], %broadcast_in_dim3A_39 {strides = array<i32>} : memref<100352xf32, #tpu.memory_space<vmem>>, vector<16xf32>,
    } {sc.loop_unroll_factor = 16 : i64, sc.parallel_access}
    %dma_wait3A = arith.constant 0 : i32
    %dma_wait3A_42 = tpu.memref_slice %arg2[%add3A_35, %dma_wait3A] : memref<3584x224xi32, #tpu.memory_space<hbm>> -> memref<112x224xi32, #tpu.memory_space<hbm>>
    %dma_wait3A_43 = arith.constant 0 : i32
    %dma_wait3A_44 = tpu.memref_slice %arg2[%add3A_35, %dma_wait3A_43] : memref<3584x224xi32, #tpu.memory_space<hbm>> -> memref<112x224xi32, #tpu.memory_space<hbm>>
    tpu.wait_dma2 semaphore(%arg6 : memref<!tpu.dma_semaphore, #tpu.memory_space<semaphore_mem>>) src(%dma_wait3A_44 : memref<112x224xi32, #tpu.memory_space<hbm>>) dst(%arg4 : memref<112x224xi32, #tpu.memory_space<vmem>>)
    %parallel_loop3A_45 = arith.constant 0 : i32
    %parallel_loop3A_46 = arith.constant 112 : i32
    %parallel_loop3A_47 = arith.constant 1 : i32
    scf.for %parallel_loop3A_48 = %parallel_loop3A_45 to %parallel_loop3A_46 step %parallel_loop3A_47  : i32 {
      %parallel_loop3A_49 = arith.index_cast %parallel_loop3A_48 : i32 to index
      %parallel_loop3A_50 = arith.constant 0 : index
      %parallel_loop3A_51 = tpu.vector_load %arg4[%parallel_loop3A_49, %parallel_loop3A_50] {strides = array<i32>} : memref<112x224xi32, #tpu.memory_space<vmem>>, vector<16xi32>,
      %parallel_loop3A_52 = arith.constant 1 : i32
      %parallel_loop3A_53 = vector.broadcast %parallel_loop3A_52 : i32 to vector<16xi32>
      %parallel_loop3A_54 = arith.addi %parallel_loop3A_51, %parallel_loop3A_53 : vector<16xi32>
      %parallel_loop3A_55 = arith.constant true
      %parallel_loop3A_56 = vector.broadcast %parallel_loop3A_55 : i1 to vector<16xi1>
      %parallel_loop3A_57, %parallel_loop3A_58 = tpu.scan_count mask(%parallel_loop3A_56 : vector<16xi1>) value(%parallel_loop3A_54 : vector<16xi32>) : vector<16xi1>, vector<16xi32>
      %parallel_loop3A_59 = arith.sitofp %parallel_loop3A_58 : vector<16xi32> to vector<16xf32>
      tpu.vector_store_idx %arg5[%parallel_loop3A_54], %parallel_loop3A_59 masked %parallel_loop3A_57 {add = true} : memref<100352xf32, #tpu.memory_space<vmem>>[vector<16xi32>], vector<16xf32>, vector<16xi1>
      %parallel_loop3A_60 = arith.index_cast %parallel_loop3A_48 : i32 to index
      %parallel_loop3A_61 = arith.constant 16 : index
      %parallel_loop3A_62 = tpu.vector_load %arg4[%parallel_loop3A_60, %parallel_loop3A_61] {strides = array<i32>} : memref<112x224xi32, #tpu.memory_space<vmem>>, vector<16xi32>,
      %parallel_loop3A_63 = arith.constant 1 : i32
      %parallel_loop3A_64 = vector.broadcast %parallel_loop3A_63 : i32 to vector<16xi32>
      %parallel_loop3A_65 = arith.addi %parallel_loop3A_62, %parallel_loop3A_64 : vector<16xi32>
      %parallel_loop3A_66 = arith.constant true
      %parallel_loop3A_67 = vector.broadcast %parallel_loop3A_66 : i1 to vector<16xi1>
      %parallel_loop3A_68, %parallel_loop3A_69 = tpu.scan_count mask(%parallel_loop3A_67 : vector<16xi1>) value(%parallel_loop3A_65 : vector<16xi32>) : vector<16xi1>, vector<16xi32>
      %parallel_loop3A_70 = arith.sitofp %parallel_loop3A_69 : vector<16xi32> to vector<16xf32>
      tpu.vector_store_idx %arg5[%parallel_loop3A_65], %parallel_loop3A_70 masked %parallel_loop3A_68 {add = true} : memref<100352xf32, #tpu.memory_space<vmem>>[vector<16xi32>], vector<16xf32>, vector<16xi1>
      %parallel_loop3A_71 = arith.index_cast %parallel_loop3A_48 : i32 to index
      %parallel_loop3A_72 = arith.constant 32 : index
      %parallel_loop3A_73 = tpu.vector_load %arg4[%parallel_loop3A_71, %parallel_loop3A_72] {strides = array<i32>} : memref<112x224xi32, #tpu.memory_space<vmem>>, vector<16xi32>,
      %parallel_loop3A_74 = arith.constant 1 : i32
      %parallel_loop3A_75 = vector.broadcast %parallel_loop3A_74 : i32 to vector<16xi32>
      %parallel_loop3A_76 = arith.addi %parallel_loop3A_73, %parallel_loop3A_75 : vector<16xi32>
      %parallel_loop3A_77 = arith.constant true
      %parallel_loop3A_78 = vector.broadcast %parallel_loop3A_77 : i1 to vector<16xi1>
      %parallel_loop3A_79, %parallel_loop3A_80 = tpu.scan_count mask(%parallel_loop3A_78 : vector<16xi1>) value(%parallel_loop3A_76 : vector<16xi32>) : vector<16xi1>, vector<16xi32>
      %parallel_loop3A_81 = arith.sitofp %parallel_loop3A_80 : vector<16xi32> to vector<16xf32>
      tpu.vector_store_idx %arg5[%parallel_loop3A_76], %parallel_loop3A_81 masked %parallel_loop3A_79 {add = true} : memref<100352xf32, #tpu.memory_space<vmem>>[vector<16xi32>], vector<16xf32>, vector<16xi1>
      %parallel_loop3A_82 = arith.index_cast %parallel_loop3A_48 : i32 to index
      %parallel_loop3A_83 = arith.constant 48 : index
      %parallel_loop3A_84 = tpu.vector_load %arg4[%parallel_loop3A_82, %parallel_loop3A_83] {strides = array<i32>} : memref<112x224xi32, #tpu.memory_space<vmem>>, vector<16xi32>,
      %parallel_loop3A_85 = arith.constant 1 : i32
      %parallel_loop3A_86 = vector.broadcast %parallel_loop3A_85 : i32 to vector<16xi32>
      %parallel_loop3A_87 = arith.addi %parallel_loop3A_84, %parallel_loop3A_86 : vector<16xi32>
      %parallel_loop3A_88 = arith.constant true
      %parallel_loop3A_89 = vector.broadcast %parallel_loop3A_88 : i1 to vector<16xi1>
      %parallel_loop3A_90, %parallel_loop3A_91 = tpu.scan_count mask(%parallel_loop3A_89 : vector<16xi1>) value(%parallel_loop3A_87 : vector<16xi32>) : vector<16xi1>, vector<16xi32>
      %parallel_loop3A_92 = arith.sitofp %parallel_loop3A_91 : vector<16xi32> to vector<16xf32>
      tpu.vector_store_idx %arg5[%parallel_loop3A_87], %parallel_loop3A_92 masked %parallel_loop3A_90 {add = true} : memref<100352xf32, #tpu.memory_space<vmem>>[vector<16xi32>], vector<16xf32>, vector<16xi1>
      %parallel_loop3A_93 = arith.index_cast %parallel_loop3A_48 : i32 to index
      %parallel_loop3A_94 = arith.constant 64 : index
      %parallel_loop3A_95 = tpu.vector_load %arg4[%parallel_loop3A_93, %parallel_loop3A_94] {strides = array<i32>} : memref<112x224xi32, #tpu.memory_space<vmem>>, vector<16xi32>,
      %parallel_loop3A_96 = arith.constant 1 : i32
      %parallel_loop3A_97 = vector.broadcast %parallel_loop3A_96 : i32 to vector<16xi32>
      %parallel_loop3A_98 = arith.addi %parallel_loop3A_95, %parallel_loop3A_97 : vector<16xi32>
      %parallel_loop3A_99 = arith.constant true
      %parallel_loop3A_100 = vector.broadcast %parallel_loop3A_99 : i1 to vector<16xi1>
      %parallel_loop3A_101, %parallel_loop3A_102 = tpu.scan_count mask(%parallel_loop3A_100 : vector<16xi1>) value(%parallel_loop3A_98 : vector<16xi32>) : vector<16xi1>, vector<16xi32>
      %parallel_loop3A_103 = arith.sitofp %parallel_loop3A_102 : vector<16xi32> to vector<16xf32>
      tpu.vector_store_idx %arg5[%parallel_loop3A_98], %parallel_loop3A_103 masked %parallel_loop3A_101 {add = true} : memref<100352xf32, #tpu.memory_space<vmem>>[vector<16xi32>], vector<16xf32>, vector<16xi1>
      %parallel_loop3A_104 = arith.index_cast %parallel_loop3A_48 : i32 to index
      %parallel_loop3A_105 = arith.constant 80 : index
      %parallel_loop3A_106 = tpu.vector_load %arg4[%parallel_loop3A_104, %parallel_loop3A_105] {strides = array<i32>} : memref<112x224xi32, #tpu.memory_space<vmem>>, vector<16xi32>,
      %parallel_loop3A_107 = arith.constant 1 : i32
      %parallel_loop3A_108 = vector.broadcast %parallel_loop3A_107 : i32 to vector<16xi32>
      %parallel_loop3A_109 = arith.addi %parallel_loop3A_106, %parallel_loop3A_108 : vector<16xi32>
      %parallel_loop3A_110 = arith.constant true
      %parallel_loop3A_111 = vector.broadcast %parallel_loop3A_110 : i1 to vector<16xi1>
      %parallel_loop3A_112, %parallel_loop3A_113 = tpu.scan_count mask(%parallel_loop3A_111 : vector<16xi1>) value(%parallel_loop3A_109 : vector<16xi32>) : vector<16xi1>, vector<16xi32>
      %parallel_loop3A_114 = arith.sitofp %parallel_loop3A_113 : vector<16xi32> to vector<16xf32>
      tpu.vector_store_idx %arg5[%parallel_loop3A_109], %parallel_loop3A_114 masked %parallel_loop3A_112 {add = true} : memref<100352xf32, #tpu.memory_space<vmem>>[vector<16xi32>], vector<16xf32>, vector<16xi1>
      %parallel_loop3A_115 = arith.index_cast %parallel_loop3A_48 : i32 to index
      %parallel_loop3A_116 = arith.constant 96 : index
      %parallel_loop3A_117 = tpu.vector_load %arg4[%parallel_loop3A_115, %parallel_loop3A_116] {strides = array<i32>} : memref<112x224xi32, #tpu.memory_space<vmem>>, vector<16xi32>,
      %parallel_loop3A_118 = arith.constant 1 : i32
      %parallel_loop3A_119 = vector.broadcast %parallel_loop3A_118 : i32 to vector<16xi32>
      %parallel_loop3A_120 = arith.addi %parallel_loop3A_117, %parallel_loop3A_119 : vector<16xi32>
      %parallel_loop3A_121 = arith.constant true
      %parallel_loop3A_122 = vector.broadcast %parallel_loop3A_121 : i1 to vector<16xi1>
      %parallel_loop3A_123, %parallel_loop3A_124 = tpu.scan_count mask(%parallel_loop3A_122 : vector<16xi1>) value(%parallel_loop3A_120 : vector<16xi32>) : vector<16xi1>, vector<16xi32>
      %parallel_loop3A_125 = arith.sitofp %parallel_loop3A_124 : vector<16xi32> to vector<16xf32>
      tpu.vector_store_idx %arg5[%parallel_loop3A_120], %parallel_loop3A_125 masked %parallel_loop3A_123 {add = true} : memref<100352xf32, #tpu.memory_space<vmem>>[vector<16xi32>], vector<16xf32>, vector<16xi1>
      %parallel_loop3A_126 = arith.index_cast %parallel_loop3A_48 : i32 to index
      %parallel_loop3A_127 = arith.constant 112 : index
      %parallel_loop3A_128 = tpu.vector_load %arg4[%parallel_loop3A_126, %parallel_loop3A_127] {strides = array<i32>} : memref<112x224xi32, #tpu.memory_space<vmem>>, vector<16xi32>,
      %parallel_loop3A_129 = arith.constant 1 : i32
      %parallel_loop3A_130 = vector.broadcast %parallel_loop3A_129 : i32 to vector<16xi32>
      %parallel_loop3A_131 = arith.addi %parallel_loop3A_128, %parallel_loop3A_130 : vector<16xi32>
      %parallel_loop3A_132 = arith.constant true
      %parallel_loop3A_133 = vector.broadcast %parallel_loop3A_132 : i1 to vector<16xi1>
      %parallel_loop3A_134, %parallel_loop3A_135 = tpu.scan_count mask(%parallel_loop3A_133 : vector<16xi1>) value(%parallel_loop3A_131 : vector<16xi32>) : vector<16xi1>, vector<16xi32>
      %parallel_loop3A_136 = arith.sitofp %parallel_loop3A_135 : vector<16xi32> to vector<16xf32>
      tpu.vector_store_idx %arg5[%parallel_loop3A_131], %parallel_loop3A_136 masked %parallel_loop3A_134 {add = true} : memref<100352xf32, #tpu.memory_space<vmem>>[vector<16xi32>], vector<16xf32>, vector<16xi1>
      %parallel_loop3A_137 = arith.index_cast %parallel_loop3A_48 : i32 to index
      %parallel_loop3A_138 = arith.constant 128 : index
      %parallel_loop3A_139 = tpu.vector_load %arg4[%parallel_loop3A_137, %parallel_loop3A_138] {strides = array<i32>} : memref<112x224xi32, #tpu.memory_space<vmem>>, vector<16xi32>,
      %parallel_loop3A_140 = arith.constant 1 : i32
      %parallel_loop3A_141 = vector.broadcast %parallel_loop3A_140 : i32 to vector<16xi32>
      %parallel_loop3A_142 = arith.addi %parallel_loop3A_139, %parallel_loop3A_141 : vector<16xi32>
      %parallel_loop3A_143 = arith.constant true
      %parallel_loop3A_144 = vector.broadcast %parallel_loop3A_143 : i1 to vector<16xi1>
      %parallel_loop3A_145, %parallel_loop3A_146 = tpu.scan_count mask(%parallel_loop3A_144 : vector<16xi1>) value(%parallel_loop3A_142 : vector<16xi32>) : vector<16xi1>, vector<16xi32>
      %parallel_loop3A_147 = arith.sitofp %parallel_loop3A_146 : vector<16xi32> to vector<16xf32>
      tpu.vector_store_idx %arg5[%parallel_loop3A_142], %parallel_loop3A_147 masked %parallel_loop3A_145 {add = true} : memref<100352xf32, #tpu.memory_space<vmem>>[vector<16xi32>], vector<16xf32>, vector<16xi1>
      %parallel_loop3A_148 = arith.index_cast %parallel_loop3A_48 : i32 to index
      %parallel_loop3A_149 = arith.constant 144 : index
      %parallel_loop3A_150 = tpu.vector_load %arg4[%parallel_loop3A_148, %parallel_loop3A_149] {strides = array<i32>} : memref<112x224xi32, #tpu.memory_space<vmem>>, vector<16xi32>,
      %parallel_loop3A_151 = arith.constant 1 : i32
      %parallel_loop3A_152 = vector.broadcast %parallel_loop3A_151 : i32 to vector<16xi32>
      %parallel_loop3A_153 = arith.addi %parallel_loop3A_150, %parallel_loop3A_152 : vector<16xi32>
      %parallel_loop3A_154 = arith.constant true
      %parallel_loop3A_155 = vector.broadcast %parallel_loop3A_154 : i1 to vector<16xi1>
      %parallel_loop3A_156, %parallel_loop3A_157 = tpu.scan_count mask(%parallel_loop3A_155 : vector<16xi1>) value(%parallel_loop3A_153 : vector<16xi32>) : vector<16xi1>, vector<16xi32>
      %parallel_loop3A_158 = arith.sitofp %parallel_loop3A_157 : vector<16xi32> to vector<16xf32>
      tpu.vector_store_idx %arg5[%parallel_loop3A_153], %parallel_loop3A_158 masked %parallel_loop3A_156 {add = true} : memref<100352xf32, #tpu.memory_space<vmem>>[vector<16xi32>], vector<16xf32>, vector<16xi1>
      %parallel_loop3A_159 = arith.index_cast %parallel_loop3A_48 : i32 to index
      %parallel_loop3A_160 = arith.constant 160 : index
      %parallel_loop3A_161 = tpu.vector_load %arg4[%parallel_loop3A_159, %parallel_loop3A_160] {strides = array<i32>} : memref<112x224xi32, #tpu.memory_space<vmem>>, vector<16xi32>,
      %parallel_loop3A_162 = arith.constant 1 : i32
      %parallel_loop3A_163 = vector.broadcast %parallel_loop3A_162 : i32 to vector<16xi32>
      %parallel_loop3A_164 = arith.addi %parallel_loop3A_161, %parallel_loop3A_163 : vector<16xi32>
      %parallel_loop3A_165 = arith.constant true
      %parallel_loop3A_166 = vector.broadcast %parallel_loop3A_165 : i1 to vector<16xi1>
      %parallel_loop3A_167, %parallel_loop3A_168 = tpu.scan_count mask(%parallel_loop3A_166 : vector<16xi1>) value(%parallel_loop3A_164 : vector<16xi32>) : vector<16xi1>, vector<16xi32>
      %parallel_loop3A_169 = arith.sitofp %parallel_loop3A_168 : vector<16xi32> to vector<16xf32>
      tpu.vector_store_idx %arg5[%parallel_loop3A_164], %parallel_loop3A_169 masked %parallel_loop3A_167 {add = true} : memref<100352xf32, #tpu.memory_space<vmem>>[vector<16xi32>], vector<16xf32>, vector<16xi1>
      %parallel_loop3A_170 = arith.index_cast %parallel_loop3A_48 : i32 to index
      %parallel_loop3A_171 = arith.constant 176 : index
      %parallel_loop3A_172 = tpu.vector_load %arg4[%parallel_loop3A_170, %parallel_loop3A_171] {strides = array<i32>} : memref<112x224xi32, #tpu.memory_space<vmem>>, vector<16xi32>,
      %parallel_loop3A_173 = arith.constant 1 : i32
      %parallel_loop3A_174 = vector.broadcast %parallel_loop3A_173 : i32 to vector<16xi32>
      %parallel_loop3A_175 = arith.addi %parallel_loop3A_172, %parallel_loop3A_174 : vector<16xi32>
      %parallel_loop3A_176 = arith.constant true
      %parallel_loop3A_177 = vector.broadcast %parallel_loop3A_176 : i1 to vector<16xi1>
      %parallel_loop3A_178, %parallel_loop3A_179 = tpu.scan_count mask(%parallel_loop3A_177 : vector<16xi1>) value(%parallel_loop3A_175 : vector<16xi32>) : vector<16xi1>, vector<16xi32>
      %parallel_loop3A_180 = arith.sitofp %parallel_loop3A_179 : vector<16xi32> to vector<16xf32>
      tpu.vector_store_idx %arg5[%parallel_loop3A_175], %parallel_loop3A_180 masked %parallel_loop3A_178 {add = true} : memref<100352xf32, #tpu.memory_space<vmem>>[vector<16xi32>], vector<16xf32>, vector<16xi1>
      %parallel_loop3A_181 = arith.index_cast %parallel_loop3A_48 : i32 to index
      %parallel_loop3A_182 = arith.constant 192 : index
      %parallel_loop3A_183 = tpu.vector_load %arg4[%parallel_loop3A_181, %parallel_loop3A_182] {strides = array<i32>} : memref<112x224xi32, #tpu.memory_space<vmem>>, vector<16xi32>,
      %parallel_loop3A_184 = arith.constant 1 : i32
      %parallel_loop3A_185 = vector.broadcast %parallel_loop3A_184 : i32 to vector<16xi32>
      %parallel_loop3A_186 = arith.addi %parallel_loop3A_183, %parallel_loop3A_185 : vector<16xi32>
      %parallel_loop3A_187 = arith.constant true
      %parallel_loop3A_188 = vector.broadcast %parallel_loop3A_187 : i1 to vector<16xi1>
      %parallel_loop3A_189, %parallel_loop3A_190 = tpu.scan_count mask(%parallel_loop3A_188 : vector<16xi1>) value(%parallel_loop3A_186 : vector<16xi32>) : vector<16xi1>, vector<16xi32>
      %parallel_loop3A_191 = arith.sitofp %parallel_loop3A_190 : vector<16xi32> to vector<16xf32>
      tpu.vector_store_idx %arg5[%parallel_loop3A_186], %parallel_loop3A_191 masked %parallel_loop3A_189 {add = true} : memref<100352xf32, #tpu.memory_space<vmem>>[vector<16xi32>], vector<16xf32>, vector<16xi1>
      %parallel_loop3A_192 = arith.index_cast %parallel_loop3A_48 : i32 to index
      %parallel_loop3A_193 = arith.constant 208 : index
      %parallel_loop3A_194 = tpu.vector_load %arg4[%parallel_loop3A_192, %parallel_loop3A_193] {strides = array<i32>} : memref<112x224xi32, #tpu.memory_space<vmem>>, vector<16xi32>,
      %parallel_loop3A_195 = arith.constant 1 : i32
      %parallel_loop3A_196 = vector.broadcast %parallel_loop3A_195 : i32 to vector<16xi32>
      %parallel_loop3A_197 = arith.addi %parallel_loop3A_194, %parallel_loop3A_196 : vector<16xi32>
      %parallel_loop3A_198 = arith.constant true
      %parallel_loop3A_199 = vector.broadcast %parallel_loop3A_198 : i1 to vector<16xi1>
      %parallel_loop3A_200, %parallel_loop3A_201 = tpu.scan_count mask(%parallel_loop3A_199 : vector<16xi1>) value(%parallel_loop3A_197 : vector<16xi32>) : vector<16xi1>, vector<16xi32>
      %parallel_loop3A_202 = arith.sitofp %parallel_loop3A_201 : vector<16xi32> to vector<16xf32>
      tpu.vector_store_idx %arg5[%parallel_loop3A_197], %parallel_loop3A_202 masked %parallel_loop3A_200 {add = true} : memref<100352xf32, #tpu.memory_space<vmem>>[vector<16xi32>], vector<16xf32>, vector<16xi1>
    } {sc.loop_unroll_factor = 1 : i64, sc.parallel_access}
    "tpu.region"() ({
      %run_scoped3A = tpu.sem_alloc : memref<!tpu.dma_semaphore, #tpu.memory_space<semaphore_mem>>
      %dma_start3A_48 = arith.constant 0 : i32
      %dma_start3A_49 = tpu.memref_slice %arg3[%add3A, %dma_start3A_48] : memref<32x100352xf32, #tpu.memory_space<hbm>> -> memref<1x100352xf32, #tpu.memory_space<hbm>>
      %dma_start3A_50 = tpu.memref_squeeze %dma_start3A_49 : memref<1x100352xf32, #tpu.memory_space<hbm>> -> memref<100352xf32, #tpu.memory_space<hbm>>
      %dma_start3A_51 = arith.constant 0 : i32
      %dma_start3A_52 = tpu.memref_slice %arg3[%add3A, %dma_start3A_51] : memref<32x100352xf32, #tpu.memory_space<hbm>> -> memref<1x100352xf32, #tpu.memory_space<hbm>>
      %dma_start3A_53 = tpu.memref_squeeze %dma_start3A_52 : memref<1x100352xf32, #tpu.memory_space<hbm>> -> memref<100352xf32, #tpu.memory_space<hbm>>
      tpu.enqueue_dma source(%arg5 : memref<100352xf32, #tpu.memory_space<vmem>>) target(%dma_start3A_53 : memref<100352xf32, #tpu.memory_space<hbm>>) target_semaphore(%run_scoped3A : memref<!tpu.dma_semaphore, #tpu.memory_space<semaphore_mem>>)
      %dma_wait3A_54 = arith.constant 0 : i32
      %dma_wait3A_55 = tpu.memref_slice %arg3[%add3A, %dma_wait3A_54] : memref<32x100352xf32, #tpu.memory_space<hbm>> -> memref<1x100352xf32, #tpu.memory_space<hbm>>
      %dma_wait3A_56 = tpu.memref_squeeze %dma_wait3A_55 : memref<1x100352xf32, #tpu.memory_space<hbm>> -> memref<100352xf32, #tpu.memory_space<hbm>>
      %dma_wait3A_57 = arith.constant 0 : i32
      %dma_wait3A_58 = tpu.memref_slice %arg3[%add3A, %dma_wait3A_57] : memref<32x100352xf32, #tpu.memory_space<hbm>> -> memref<1x100352xf32, #tpu.memory_space<hbm>>
      %dma_wait3A_59 = tpu.memref_squeeze %dma_wait3A_58 : memref<1x100352xf32, #tpu.memory_space<hbm>> -> memref<100352xf32, #tpu.memory_space<hbm>>
      tpu.wait_dma2 semaphore(%run_scoped3A : memref<!tpu.dma_semaphore, #tpu.memory_space<semaphore_mem>>) src(%arg5 : memref<100352xf32, #tpu.memory_space<vmem>>) dst(%dma_wait3A_59 : memref<100352xf32, #tpu.memory_space<hbm>>)
      tpu.yield
    }) : () -> ()
    return
  }
}

</mosaic_0001>

<sc_bundles>
// kernel: _sc_hist.3.cloned.1.call-start
scs
__scs_entry_jumppad:
0x0: {  	(pc) =	sbr.rel $0x88, $3  }
0x1: {  	(tag) =	ssettag $0x0;
	lr =	simm.s32 $0x1  }
0x2: {  	[smem:$0x3FA0] =	sst lr;
	_ =	strace $0xD0000000  }
0x3: {  	_ = 	snop  }
0x4: {  	_ = 	snop  }
0x5: {  	_ = 	snop  }
0x6: {  	_ = 	snop  }
0x7: {  	_ = 	snop  }
__scs_overlays_trampoline_lowered:
0x8: {  	[smem:$0x3FAF] =	sst s0  }
0x9: {  	[smem:$0x3FB0] =	sst s1  }
0xa: {  	[smem:$0x3FB1] =	sst s2  }
0xb: {  	[smem:$0x3FB2] =	sst s3  }
0xc: {  	[smem:$0x3FB3] =	sst s4  }
0xd: {  	[smem:$0x3FB4] =	sst s5  }
0xe: {  	[smem:$0x3FB5] =	sst s6  }
0xf: {  	[smem:$0x3FB6] =	sst s7  }
0x10: {  	[smem:$0x3FB7] =	sst s8  }
0x11: {  	[smem:$0x3FB8] =	sst s9;
	s0 =	simm.s32 @!p0 $0x0  }
0x12: {  	s1 =	sld [smem:$0x3F9E];
	s0 =	simm.s32 @p0 $0x1  }
0x13: {  	[smem:$0x3FB9] =	sst s0;
	s0 =	simm.s32 @!p1 $0x0  }
0x14: {  	s2 =	sld [smem:$0x3F9D];
	s0 =	simm.s32 @p1 $0x1  }
0x15: {  	[smem:$0x3FBA] =	sst s0;
	s0 =	simm.s32 @!p2 $0x0  }
0x16: {  	s3 =	sld [smem:$0x3FDB];
	s0 =	simm.s32 @p2 $0x1  }
0x17: {  	s4 =	simm.s32 $0x1BF5;
	[smem:$0x3FBC] =	sst s0  }
0x18: {  	s0 =	sld [smem:$0x3F9F];
	_ =	swait.ge [sflag:s4], $0x0  }
0x19: {  	s7 =	sld [smem:$0x3FA0]  }
0x1a: {  	s8 =	sadd.s32 $0xFFFFE003, lr  }
0x1b: {  	s9 =	sadd.s32 $0xFFFFFEF7, lr;
	s5 =	simm.s32 $0xFFFFFFFF;
	p2 =	slt.u32 s8, $0xFFFFF086  }
0x1c: {  	p1 =	slt.u32 s9, $0xF7A;
	s5 =	simm.s32 @!p2 $0x0  }
0x1d: {  	s5 =	simm.s32 @p1 $0x1;
	p0 =	seq.s32 s7, s2  }
0x1e: {  	s7 =	smul.u32 @!p0 $0xF7A, s2;
	p2 =	seq.s32 @!p0 s5, $0x0  }
0x1f: {  	s9 =	smul.u32 $0xF7A, s1;
	s8 =	simm.s32 @!p0 $0x1BF5;
	p2 =	por !p2, p0  }
0x20: {  	[sflag:s8] =	ssyncset.s32 @!p0 $0xFFFFF086;
	s6 =	sadd.s32 @!p0 s3, s7;
	s7 =	simm.s32 @!p0 $0x108  }
0x21: {  	s3 =	sadd.s32 s3, s9;
	s6 =	sadd.s32 @!p0 $0x88, s6;
	s7 =	simm.s32 @p2 $0x1082  }
0x22: {  	[simem:s7], [sflag:s8] =	dma.local @!p0 [hbm:s6], $0xF7A  }
0x23: {  	s9 =	sor.u32 $0xD0000000, s2;
	s6 =	simm.s32 $0x108;
	_ =	swait.ge @!p0 [sflag:s8], $0x0  }
0x24: {  	s3 =	sadd.s32 $0x88, s3;
	s6 =	simm.s32 @!p1 $0x1082;
	[sflag:s4] =	ssyncset.s32 $0xFFFFF086  }
0x25: {  	[simem:s6], [sflag:s4] =	dma.local [hbm:s3], $0xF7A  }
0x26: {  	[smem:$0x3FA0] =	sst s1;
	(tag) =	ssettag s2;
	_ =	strace s9  }
0x27: {  	s1 =	sld [smem:$0x3FB0]  }
0x28: {  	s2 =	sld [smem:$0x3FB1]  }
0x29: {  	s4 =	sld [smem:$0x3FB3]  }
0x2a: {  	p0 =	seq.s32 s5, $0x0;
	s5 =	sld [smem:$0x3FB4]  }
0x2b: {  	s6 =	sld [smem:$0x3FB5]  }
0x2c: {  	s7 =	sld [smem:$0x3FB6]  }
0x2d: {  	s3 =	simm.s32 $0x108;
	s8 =	sld [smem:$0x3FB7]  }
0x2e: {  	s3 =	simm.s32 @!p0 $0x1082;
	s9 =	sld [smem:$0x3FB8]  }
0x2f: {  	lr =	sadd.s32 s0, s3;
	s0 =	sld [smem:$0x3FAF]  }
0x30: {  	s3 =	sld [smem:$0x3FB2]  }
0x31: {  	[smem:$0x3FBB] =	sst s10  }
0x32: {  	s10 =	sld [smem:$0x3FB9];
	_ =	sdelay $0x3  }
0x33: {  	p0 =	seq.s32 s10, $0x1;
	s10 =	sld [smem:$0x3FBB];
	_ =	sdelay $0x3  }
0x34: {  	[smem:$0x3FBB] =	sst s10  }
0x35: {  	s10 =	sld [smem:$0x3FBA];
	_ =	sdelay $0x3  }
0x36: {  	p1 =	seq.s32 s10, $0x1;
	s10 =	sld [smem:$0x3FBB];
	_ =	sdelay $0x3  }
0x37: {  	[smem:$0x3FBB] =	sst s10  }
0x38: {  	s10 =	sld [smem:$0x3FBC]  }
0x39: {  	_ = 	snop;
	(pc) =	sbr.ind lr, $3  }
0x3a: {  	_ = 	snop  }
0x3b: {  	_ = 	snop  }
0x3c: {  	p2 =	seq.s32 s10, $0x1;
	s10 =	sld [smem:$0x3FBB]  }
0x3d: {  	_ =	shalt  }
0x3e: {  	_ =	shalt  }
0x3f: {  	_ =	shalt  }
0x40: {  	_ =	shalt  }
0x41: {  	_ =	shalt  }
0x42: {  	_ =	shalt  }
0x43: {  	_ =	shalt  }
0x44: {  	_ =	shalt  }
0x45: {  	_ =	shalt  }
0x46: {  	_ =	shalt  }
0x47: {  	_ =	shalt  }
0x48: {  	_ =	shalt  }
0x49: {  	_ =	shalt  }
0x4a: {  	_ =	shalt  }
0x4b: {  	_ =	shalt  }
0x4c: {  	_ =	shalt  }
0x4d: {  	_ =	shalt  }
0x4e: {  	_ =	shalt  }
0x4f: {  	_ =	shalt  }
0x50: {  	_ =	shalt  }
0x51: {  	_ =	shalt  }
0x52: {  	_ =	shalt  }
0x53: {  	_ =	shalt  }
0x54: {  	_ =	shalt  }
0x55: {  	_ =	shalt  }
0x56: {  	_ =	shalt  }
0x57: {  	_ =	shalt  }
0x58: {  	_ =	shalt  }
0x59: {  	_ =	shalt  }
0x5a: {  	_ =	shalt  }
0x5b: {  	_ =	shalt  }
0x5c: {  	_ =	shalt  }
0x5d: {  	_ =	shalt  }
0x5e: {  	_ =	shalt  }
0x5f: {  	_ =	shalt  }
0x60: {  	_ =	shalt  }
0x61: {  	_ =	shalt  }
0x62: {  	_ =	shalt  }
0x63: {  	_ =	shalt  }
0x64: {  	_ =	shalt  }
0x65: {  	_ =	shalt  }
0x66: {  	_ =	shalt  }
0x67: {  	_ =	shalt  }
0x68: {  	_ =	shalt  }
0x69: {  	_ =	shalt  }
0x6a: {  	_ =	shalt  }
0x6b: {  	_ =	shalt  }
0x6c: {  	_ =	shalt  }
0x6d: {  	_ =	shalt  }
0x6e: {  	_ =	shalt  }
0x6f: {  	_ =	shalt  }
0x70: {  	_ =	shalt  }
0x71: {  	_ =	shalt  }
0x72: {  	_ =	shalt  }
0x73: {  	_ =	shalt  }
0x74: {  	_ =	shalt  }
0x75: {  	_ =	shalt  }
0x76: {  	_ =	shalt  }
0x77: {  	_ =	shalt  }
0x78: {  	_ =	shalt  }
0x79: {  	_ =	shalt  }
0x7a: {  	_ =	shalt  }
0x7b: {  	_ =	shalt  }
0x7c: {  	_ =	shalt  }
0x7d: {  	_ =	shalt  }
0x7e: {  	_ =	shalt  }
0x7f: {  	_ =	shalt  }
0x80: {  	_ =	shalt  }
0x81: {  	_ =	shalt  }
0x82: {  	_ =	shalt  }
0x83: {  	_ =	shalt  }
0x84: {  	_ =	shalt  }
0x85: {  	_ =	shalt  }
0x86: {  	_ =	shalt  }
0x87: {  	_ =	shalt  }
.Lfunc_end0:
.L_simem_size_0:
called_computation_lowered:
.L_overlay_start_0:
0x88: {  	s2 =	sld [smem:$0x3FD9]  }
0x89: {  	s3 =	sld [smem:$0x3FFE];
	_ =	sdelay $0x1  }
0x8a: {  	s1 =	srdreg.scid  }
0x8b: {  	s0 =	sand.u32 $0x1, s1  }
0x8c: {  	s17 =	sshll.u32 s0, $0xA;
	s2 =	sadd.s32 s3, s2  }
0x8d: {  	s2 =	sadd.s32 s2, s17  }
0x8e: {  	[smem:$0x3FC7] =	sst s2  }
0x8f: {  	_ = 	snop  }
0x90: {  	s2 =	sld [smem:$0x3FD0];
	(tm) =	ssettm $0x1  }
0x91: {  	s18 =	sld [smem:$0x3FFB];
	_ =	sdelay $0x3  }
0x92: {  	_ =	strace s18  }
0x93: {  	s3 =	sld [smem:$0x3FFC];
	_ =	sdelay $0x3  }
0x94: {  	_ =	strace s3  }
0x95: {  	s3 =	sld [smem:$0x3FFD];
	_ =	sdelay $0x3  }
0x96: {  	_ =	strace s3  }
0x97: {  	_ =	strace $0x8FFFFFFF  }
0x98: {  	s19 =	sld [smem:$0x3FDB];
	_ =	sdelay $0x1  }
0x99: {  	s4 =	simm.s32 $_scs_section_size  }
0x9a: {  	s5 =	simm.s32 $_size__tile_overlayer_lowered;
	s6 =	simm.s32 $_tile_overlayer_lowered  }
0x9b: {  	s22 =	simm.s32 $0x1BFF;
	s21 =	sshll.u32 s6, $0x1;
	s3 =	sadd.s32 s4, s19  }
0x9c: {  	s7 =	simm.s32 $0x0;
	s20 =	sshll.u32 s5, $0x1;
	s5 =	sadd.s32 s21, s3  }
0x9d: {  	[timem:s7], [sflag:s22] =	dma.local [hbm:s5], s20  }
0x9e: {  	_ =	swait.ge [sflag:s22], s20  }
0x9f: {  	s4 =	ssub.s32 $0x0, s20;
	[sflag:s22] =	ssyncset.done $0x0  }
0xa0: {  	[sflag:s22] =	ssyncadd.s32 s4;
	_ =	sdelay $0x1  }
0xa1: {  	s23 =	simm.s32 $0x1B8B  }
0xa2: {  	_ =	swait.ge [sflag:s23], $0x1  }
0xa3: {  	[sflag:s23] =	ssyncset.done $0x0  }
0xa4: {  	s25 =	simm.s32 $0x1B8E;
	s24 =	sld [smem:$0x3FFE];
	[sflag:s23] =	ssyncadd.s32 $0xFFFFFFFF  }
0xa5: {  	s26 =	simm.s32 $execute0_lowered;
	[smem:$0x3FD2] =	sst s25  }
0xa6: {  	s5 =	sshll.u32 s26, $0x1;
	_ =	strace $0x80000046;
	[dreg:$0x1] =	wrdreg $0xFFFFFFFF  }
0xa7: {  	s28 =	simm.s32 $_size_execute0_lowered;
	s3 =	sadd.s32 s3, s5;
	[dreg:$0x0] =	wrdreg $0x0  }
0xa8: {  	s5 =	sshll.u32 s28, $0x1;
	[dreg:$0x2] =	wrdreg s3  }
0xa9: {  	[dreg:$0x3] =	wrdreg s5  }
0xaa: {  	[dreg:$0x4] =	wrdreg $0xC0  }
0xab: {  	_ =	task [dreg:s7], $0x5FFFF  }
0xac: {  	[dreg:$0x1] =	wrdreg $0xFFFFFFFF  }
0xad: {  	[dreg:$0x0] =	wrdreg $0x60  }
0xae: {  	[dreg:$0x2] =	wrdreg s24  }
0xaf: {  	[dreg:$0x3] =	wrdreg s2  }
0xb0: {  	[dreg:$0x4] =	wrdreg $0x9  }
0xb1: {  	_ =	task.clear_ibuf [dreg:s7], $0x5FFFF;
	_ =	strace $0x90000046  }
0xb2: {  	s29 =	simm.s32 $0x9;
	_ =	strace $0x80000048  }
0xb3: {  	_ =	swait.ge [sflag:s29], $0x1  }
0xb4: {  	[sflag:s29] =	ssyncadd.s32 $0xFFFFFFFF  }
0xb5: {  	_ =	strace $0x90000048  }
0xb6: {  	_ =	sfence  }
0xb7: {  	s30 =	sld [smem:$0x0];
	_ =	sdelay $0x2  }
0xb8: {  	s31 =	sshll.u32 s1, $0xD;
	s1 =	sshrl.u32 s1, $0x2  }
0xb9: {  	s3 =	sand.u32 $0x4000, s31;
	s1 =	sadd.s32 s1, s30  }
0xba: {  	s0 =	sor.u32 s3, s0;
	s1 =	sshll.u32 s1, $0x11  }
0xbb: {  	s0 =	sor.u32 s1, s0  }
0xbc: {  	s0 =	sadd.s32 $0x8F2B, s0  }
0xbd: {  	[sflag:s0] =	ssyncadd.remote.s32 $0x1  }
0xbe: {  	_ =	sfence.sel $0xFFFF  }
0xbf: {  	[dreg:$0x0] =	wrdreg $0xFFFFFFFF;
	(pc) =	sbr.abs _section_cstart, $3  }
0xc0: {  	[dreg:$0x1] =	wrdreg $0xFFFFFFFF  }
0xc1: {  	_ =	task.clear_ibuf [dreg:s7], $0x2FFFF;
	_ =	strace $0x9FFFFFFF  }
0xc2: {  	(tm) =	ssettm $0x7FFFFFFF  }
0xc3: {  	_ =	shalt  }
tec
execute0_lowered:
.L_overlay_start_1:
0x0: {  	(tag) =	ssettag $0x1  }
0x1: {  	s3 =	rddreg [dreg:$0x0]  }
0x2: {  	s0 =	srdreg.scid;
	s5 =	rddreg [dreg:$0x1]  }
0x3: {  	s1 =	stileid.u32;
	s10 =	simm.s32 $0x2;
	s11 =	simm.s32 $0x0  }
0x4: {  	s4 =	sand.u32 $0x1, s0;
	s0 =	rddreg [dreg:$0x2];
	s6 =	smul.u32 $0x1C00, s1  }
0x5: {  	s9 =	sshll.u32 s1, $0x7;
	s2 =	sshll.u32 s4, $0x4;
	s8 =	smul.u32 $0xE00, s4  }
0x6: {  	s4 =	ssub.s32 $0x2, s4;
	s9 =	sand.u32 $0x380, s9;
	s7 =	sor.u32 s1, s2  }
0x7: {  	s2 =	simm.s32 $0x0;
	s29 =	sshrl.u32 s4, $0x1;
	s7 =	sshrl.u32 s7, $0x3  }
0x8: {  	[smem:$0x7FF] =	sst s2;
	s6 =	sadd.s32 s6, s8;
	s7 =	smul.u32 $0xC4000, s7  }
0x9: {  	s30 =	ssub.s32 s4, s29;
	s8 =	simm.s32 $0x80;
	_ =	strace $0x80000047  }
0xa: {  	s3 =	sadd.s32 s6, s3;
	s6 =	simm.s32 $0x1;
	s7 =	sor.u32 s9, s7  }
0xb: {  	s3 =	sadd.s32 $0x400, s3;
	s9 =	simm.s32 $0x400;
	s31 =	sshrl.u32 s7, $0x3  }
0xc: {  	v0 =	vimm.f32 $0.0e+00;
	s7 =	simm.s32 $0x7000;
	s4 =	sadd.s32 s5, s31;
	s5 =	smax.u32 s30, $0x1  }
.LBB2_1:
0xd: {  	[tilespmem:s2], [sflag:$0x1] =	stream.linear.gather [hbm4b:s3+s2], $0x7000, $0x38;
	[tilespmem:$0x1F800] =	vst v63  }
0xe: {  	s12 =	simm.s32 $0x7080  }
0xf: {  	[tilespmem:s12+$0xFFFFFF80] =	vst v0  }
0x10: {  	[tilespmem:s12+$0x70] =	vst v0  }
0x11: {  	[tilespmem:s12+$0x60] =	vst v0  }
0x12: {  	[tilespmem:s12+$0x50] =	vst v0  }
0x13: {  	[tilespmem:s12+$0x40] =	vst v0  }
0x14: {  	[tilespmem:s12+$0x30] =	vst v0  }
0x15: {  	[tilespmem:s12+$0x20] =	vst v0  }
0x16: {  	[tilespmem:s12+$0x10] =	vst v0  }
0x17: {  	[tilespmem:s12+$0x0] =	vst v0  }
0x18: {  	[tilespmem:s12+$0xFFFFFFF0] =	vst v0  }
0x19: {  	[tilespmem:s12+$0xFFFFFFE0] =	vst v0  }
0x1a: {  	[tilespmem:s12+$0xFFFFFFD0] =	vst v0  }
0x1b: {  	[tilespmem:s12+$0xFFFFFFC0] =	vst v0  }
0x1c: {  	[tilespmem:s12+$0xFFFFFFB0] =	vst v0  }
0x1d: {  	s13 =	simm.s32 $0x0;
	[tilespmem:s12+$0xFFFFFFA0] =	vst v0  }
.LBB2_2:
0x1e: {  	s13 =	sadd.s32 $0x100, s13;
	[tilespmem:s12+$0xFFFFFF90] =	vst v0;
	s12 =	sadd.s32 $0x100, s12  }
0x1f: {  	[tilespmem:s12+$0xFFFFFF80] =	vst v0;
	p0 =	slt.u32 s13, $0x18700  }
0x20: {  	[tilespmem:s12+$0x70] =	vst v0  }
0x21: {  	[tilespmem:s12+$0x60] =	vst v0  }
0x22: {  	[tilespmem:s12+$0x50] =	vst v0  }
0x23: {  	[tilespmem:s12+$0x40] =	vst v0  }
0x24: {  	[tilespmem:s12+$0x30] =	vst v0  }
0x25: {  	[tilespmem:s12+$0x20] =	vst v0  }
0x26: {  	[tilespmem:s12+$0x10] =	vst v0  }
0x27: {  	[tilespmem:s12+$0x0] =	vst v0  }
0x28: {  	[tilespmem:s12+$0xFFFFFFF0] =	vst v0  }
.Ltmp0:
0x29: {  	[tilespmem:s12+$0xFFFFFFE0] =	vst v0;
	(pc) =	sbr.rel @p0 .LBB2_2-.Ltmp0, $4  }
0x2a: {  	[tilespmem:s12+$0xFFFFFFD0] =	vst v0  }
0x2b: {  	[tilespmem:s12+$0xFFFFFFC0] =	vst v0  }
0x2c: {  	[tilespmem:s12+$0xFFFFFFB0] =	vst v0  }
0x2d: {  	[tilespmem:s12+$0xFFFFFFA0] =	vst v0  }
0x2e: {  	[tilespmem:s12+$0xFFFFFF90] =	vst v0  }
0x2f: {  	s24 =	simm.s32 $0x0;
	_ =	swait.ge [sflag:s6], $0x7000  }
0x30: {  	s13 =	sand.u32 $0x7800, s24;
	s12 =	sand.u32 $0x380, s24;
	[sflag:s6] =	ssyncset.done $0x0  }
0x31: {  	s24 =	sor.u32 s12, s13;
	[sflag:s6] =	ssyncadd.s32 $0xFFFF9000  }
0x32: {  	v1 =	vld [tilespmem:s24+$0x0];
	_ =	sdelay $0x4  }
0x33: {  	v1 =	vadd.s32 $0x1, v1  }
0x34: {  	(xrf1) =	vunique.msk.u32 $0xffff, v1;
	_ =	sdelay $0xd  }
0x35: {  	_, v2, vm0 =	vpop (xrf1);
	_ =	sdelay $0x3  }
0x36: {  	v2 =	vcvt.s32.f32 v2;
	_ =	sdelay $0x1  }
0x37: {  	s25 =	simm.s32 $0x100;
	s26 =	simm.s32 $0x80;
	[tilespmem:v1+s7+$0x0] =	vst.idx.add.f32.msk vm0, v2  }
0x38: {  	s12 =	sand.u32 $0x7800, s25;
	s13 =	sand.u32 $0x380, s26;
	v1 =	vld [tilespmem:s24+$0x10]  }
0x39: {  	s22 =	sor.u32 s13, s12  }
0x3a: {  	v2 =	vld [tilespmem:s22+$0x0];
	_ =	sdelay $0x2  }
0x3b: {  	v1 =	vadd.s32 $0x1, v1  }
0x3c: {  	(xrf1) =	vunique.msk.u32 $0xffff, v1  }
0x3d: {  	v2 =	vadd.s32 $0x1, v2  }
0x3e: {  	(xrf1) =	vunique.msk.u32 $0xffff, v2;
	_ =	sdelay $0xb  }
0x3f: {  	_, v3, vm0 =	vpop (xrf1);
	_ =	sdelay $0x1  }
0x40: {  	_, v4, vm1 =	vpop (xrf1);
	_ =	sdelay $0x1  }
0x41: {  	v3 =	vcvt.s32.f32 v3;
	_ =	sdelay $0x1  }
0x42: {  	v4 =	vcvt.s32.f32 v4;
	[tilespmem:v1+s7+$0x0] =	vst.idx.add.f32.msk vm0, v3  }
0x43: {  	v1 =	vld [tilespmem:s24+$0x20]  }
0x44: {  	s28 =	simm.s32 $0x200;
	s29 =	simm.s32 $0x100;
	[tilespmem:v2+s7+$0x0] =	vst.idx.add.f32.msk vm1, v4  }
0x45: {  	s12 =	sand.u32 $0x7800, s28;
	s13 =	sand.u32 $0x380, s29;
	v2 =	vld [tilespmem:s22+$0x10]  }
0x46: {  	s20 =	sor.u32 s13, s12  }
0x47: {  	v3 =	vld [tilespmem:s20+$0x0]  }
0x48: {  	v1 =	vadd.s32 $0x1, v1  }
0x49: {  	(xrf1) =	vunique.msk.u32 $0xffff, v1  }
0x4a: {  	v2 =	vadd.s32 $0x1, v2  }
0x4b: {  	(xrf1) =	vunique.msk.u32 $0xffff, v2  }
0x4c: {  	v3 =	vadd.s32 $0x1, v3  }
0x4d: {  	(xrf1) =	vunique.msk.u32 $0xffff, v3;
	_ =	sdelay $0x9  }
0x4e: {  	_, v4, vm0 =	vpop (xrf1);
	_ =	sdelay $0x1  }
0x4f: {  	_, v5, vm1 =	vpop (xrf1);
	_ =	sdelay $0x1  }
0x50: {  	v4 =	vcvt.s32.f32 v4;
	_, v6, vm2 =	vpop (xrf1);
	_ =	sdelay $0x1  }
0x51: {  	v5 =	vcvt.s32.f32 v5;
	[tilespmem:v1+s7+$0x0] =	vst.idx.add.f32.msk vm0, v4  }
0x52: {  	v1 =	vld [tilespmem:s24+$0x30]  }
0x53: {  	v4 =	vcvt.s32.f32 v6;
	[tilespmem:v2+s7+$0x0] =	vst.idx.add.f32.msk vm1, v5  }
0x54: {  	v2 =	vld [tilespmem:s22+$0x20]  }
0x55: {  	s30 =	simm.s32 $0x300;
	s31 =	simm.s32 $0x180;
	[tilespmem:v3+s7+$0x0] =	vst.idx.add.f32.msk vm2, v4  }
0x56: {  	s12 =	sand.u32 $0x7800, s30;
	s13 =	sand.u32 $0x380, s31;
	v3 =	vld [tilespmem:s20+$0x10]  }
0x57: {  	s18 =	sor.u32 s13, s12;
	v1 =	vadd.s32 $0x1, v1  }
0x58: {  	v4 =	vld [tilespmem:s18+$0x0];
	(xrf1) =	vunique.msk.u32 $0xffff, v1  }
0x59: {  	v2 =	vadd.s32 $0x1, v2  }
0x5a: {  	(xrf1) =	vunique.msk.u32 $0xffff, v2  }
0x5b: {  	v3 =	vadd.s32 $0x1, v3  }
0x5c: {  	(xrf1) =	vunique.msk.u32 $0xffff, v3  }
0x5d: {  	v4 =	vadd.s32 $0x1, v4  }
0x5e: {  	(xrf1) =	vunique.msk.u32 $0xffff, v4;
	_ =	sdelay $0x7  }
0x5f: {  	_, v5, vm0 =	vpop (xrf1);
	_ =	sdelay $0x1  }
0x60: {  	_, v6, vm1 =	vpop (xrf1);
	_ =	sdelay $0x1  }
0x61: {  	v5 =	vcvt.s32.f32 v5;
	_, v7, vm2 =	vpop (xrf1);
	_ =	sdelay $0x1  }
0x62: {  	v6 =	vcvt.s32.f32 v6;
	_, v8, vm3 =	vpop (xrf1);
	[tilespmem:v1+s7+$0x0] =	vst.idx.add.f32.msk vm0, v5  }
0x63: {  	v1 =	vld [tilespmem:s24+$0x40]  }
0x64: {  	v5 =	vcvt.s32.f32 v7;
	[tilespmem:v2+s7+$0x0] =	vst.idx.add.f32.msk vm1, v6  }
0x65: {  	v2 =	vld [tilespmem:s22+$0x30]  }
0x66: {  	v6 =	vcvt.s32.f32 v8;
	[tilespmem:v3+s7+$0x0] =	vst.idx.add.f32.msk vm2, v5  }
0x67: {  	v3 =	vld [tilespmem:s20+$0x20]  }
0x68: {  	s14 =	simm.s32 $0x200;
	s13 =	simm.s32 $0x400;
	[tilespmem:v4+s7+$0x0] =	vst.idx.add.f32.msk vm3, v6;
	v1 =	vadd.s32 $0x1, v1  }
0x69: {  	s12 =	sand.u32 $0x7800, s13;
	s13 =	sand.u32 $0x380, s14;
	v4 =	vld [tilespmem:s18+$0x10];
	(xrf1) =	vunique.msk.u32 $0xffff, v1  }
0x6a: {  	s16 =	sor.u32 s13, s12;
	v2 =	vadd.s32 $0x1, v2  }
0x6b: {  	v5 =	vld [tilespmem:s16+$0x0];
	(xrf1) =	vunique.msk.u32 $0xffff, v2  }
0x6c: {  	v3 =	vadd.s32 $0x1, v3  }
0x6d: {  	(xrf1) =	vunique.msk.u32 $0xffff, v3  }
0x6e: {  	v4 =	vadd.s32 $0x1, v4  }
0x6f: {  	(xrf1) =	vunique.msk.u32 $0xffff, v4  }
0x70: {  	v5 =	vadd.s32 $0x1, v5  }
0x71: {  	(xrf1) =	vunique.msk.u32 $0xffff, v5;
	_ =	sdelay $0x5  }
0x72: {  	_, v6, vm0 =	vpop (xrf1);
	_ =	sdelay $0x1  }
0x73: {  	_, v7, vm1 =	vpop (xrf1)  }
0x74: {  	v6 =	vcvt.s32.f32 v6  }
0x75: {  	_, v8, vm2 =	vpop (xrf1);
	_ =	sdelay $0x1  }
0x76: {  	v7 =	vcvt.s32.f32 v7;
	_, v9, vm3 =	vpop (xrf1);
	[tilespmem:v1+s7+$0x0] =	vst.idx.add.f32.msk vm0, v6  }
0x77: {  	v1 =	vld [tilespmem:s24+$0x50]  }
0x78: {  	v8 =	vcvt.s32.f32 v8;
	_, v6, vm0 =	vpop (xrf1);
	[tilespmem:v2+s7+$0x0] =	vst.idx.add.f32.msk vm1, v7  }
0x79: {  	v2 =	vld [tilespmem:s22+$0x40]  }
0x7a: {  	v7 =	vcvt.s32.f32 v9;
	[tilespmem:v3+s7+$0x0] =	vst.idx.add.f32.msk vm2, v8  }
0x7b: {  	v3 =	vld [tilespmem:s20+$0x30]  }
0x7c: {  	v6 =	vcvt.s32.f32 v6;
	[tilespmem:v4+s7+$0x0] =	vst.idx.add.f32.msk vm3, v7;
	v1 =	vadd.s32 $0x1, v1  }
0x7d: {  	v4 =	vld [tilespmem:s18+$0x20];
	(xrf1) =	vunique.msk.u32 $0xffff, v1  }
0x7e: {  	s15 =	simm.s32 $0x500;
	s17 =	simm.s32 $0x280;
	[tilespmem:v5+s7+$0x0] =	vst.idx.add.f32.msk vm0, v6;
	v2 =	vadd.s32 $0x1, v2  }
0x7f: {  	s12 =	sand.u32 $0x7800, s15;
	s13 =	sand.u32 $0x380, s17;
	v5 =	vld [tilespmem:s16+$0x10];
	(xrf1) =	vunique.msk.u32 $0xffff, v2  }
0x80: {  	s14 =	sor.u32 s13, s12;
	v3 =	vadd.s32 $0x1, v3  }
0x81: {  	v6 =	vld [tilespmem:s14+$0x0];
	(xrf1) =	vunique.msk.u32 $0xffff, v3  }
0x82: {  	v4 =	vadd.s32 $0x1, v4  }
0x83: {  	(xrf1) =	vunique.msk.u32 $0xffff, v4  }
0x84: {  	v5 =	vadd.s32 $0x1, v5  }
0x85: {  	(xrf1) =	vunique.msk.u32 $0xffff, v5  }
0x86: {  	v6 =	vadd.s32 $0x1, v6  }
0x87: {  	(xrf1) =	vunique.msk.u32 $0xffff, v6;
	_ =	sdelay $0x3  }
0x88: {  	_, v7, vm0 =	vpop (xrf1);
	_ =	sdelay $0x1  }
0x89: {  	_, v8, vm1 =	vpop (xrf1)  }
0x8a: {  	v7 =	vcvt.s32.f32 v7  }
0x8b: {  	_, v9, vm2 =	vpop (xrf1)  }
0x8c: {  	v8 =	vcvt.s32.f32 v8  }
0x8d: {  	_, v10, vm3 =	vpop (xrf1);
	[tilespmem:v1+s7+$0x0] =	vst.idx.add.f32.msk vm0, v7  }
0x8e: {  	v1 =	vld [tilespmem:s24+$0x60]  }
0x8f: {  	v9 =	vcvt.s32.f32 v9;
	_, v7, vm0 =	vpop (xrf1);
	[tilespmem:v2+s7+$0x0] =	vst.idx.add.f32.msk vm1, v8  }
0x90: {  	v2 =	vld [tilespmem:s22+$0x50]  }
0x91: {  	v10 =	vcvt.s32.f32 v10;
	_, v8, vm1 =	vpop (xrf1);
	[tilespmem:v3+s7+$0x0] =	vst.idx.add.f32.msk vm2, v9  }
0x92: {  	v3 =	vld [tilespmem:s20+$0x40]  }
0x93: {  	v7 =	vcvt.s32.f32 v7;
	[tilespmem:v4+s7+$0x0] =	vst.idx.add.f32.msk vm3, v10;
	v1 =	vadd.s32 $0x1, v1  }
0x94: {  	v4 =	vld [tilespmem:s18+$0x30];
	(xrf1) =	vunique.msk.u32 $0xffff, v1  }
0x95: {  	v8 =	vcvt.s32.f32 v8;
	[tilespmem:v5+s7+$0x0] =	vst.idx.add.f32.msk vm0, v7;
	v2 =	vadd.s32 $0x1, v2  }
0x96: {  	v5 =	vld [tilespmem:s16+$0x20];
	(xrf1) =	vunique.msk.u32 $0xffff, v2  }
0x97: {  	s19 =	simm.s32 $0x600;
	s21 =	simm.s32 $0x300;
	[tilespmem:v6+s7+$0x0] =	vst.idx.add.f32.msk vm1, v8;
	v3 =	vadd.s32 $0x1, v3  }
0x98: {  	s12 =	sand.u32 $0x7800, s19;
	s13 =	sand.u32 $0x380, s21;
	v6 =	vld [tilespmem:s14+$0x10];
	(xrf1) =	vunique.msk.u32 $0xffff, v3  }
0x99: {  	s12 =	sor.u32 s13, s12;
	v4 =	vadd.s32 $0x1, v4  }
0x9a: {  	v7 =	vld [tilespmem:s12+$0x0];
	(xrf1) =	vunique.msk.u32 $0xffff, v4  }
0x9b: {  	v5 =	vadd.s32 $0x1, v5  }
0x9c: {  	(xrf1) =	vunique.msk.u32 $0xffff, v5  }
0x9d: {  	v6 =	vadd.s32 $0x1, v6  }
0x9e: {  	(xrf1) =	vunique.msk.u32 $0xffff, v6  }
0x9f: {  	v7 =	vadd.s32 $0x1, v7  }
0xa0: {  	(xrf1) =	vunique.msk.u32 $0xffff, v7;
	_ =	sdelay $0x1  }
0xa1: {  	_, v8, vm0 =	vpop (xrf1);
	_ =	sdelay $0x1  }
0xa2: {  	_, v9, vm1 =	vpop (xrf1)  }
0xa3: {  	v8 =	vcvt.s32.f32 v8  }
0xa4: {  	_, v10, vm2 =	vpop (xrf1)  }
0xa5: {  	v9 =	vcvt.s32.f32 v9  }
0xa6: {  	_, v11, vm3 =	vpop (xrf1);
	[tilespmem:v1+s7+$0x0] =	vst.idx.add.f32.msk vm0, v8  }
0xa7: {  	v10 =	vcvt.s32.f32 v10;
	v1 =	vld [tilespmem:s24+$0x70]  }
0xa8: {  	_, v8, vm0 =	vpop (xrf1);
	[tilespmem:v2+s7+$0x0] =	vst.idx.add.f32.msk vm1, v9  }
0xa9: {  	v2 =	vld [tilespmem:s22+$0x60]  }
0xaa: {  	v11 =	vcvt.s32.f32 v11;
	_, v9, vm1 =	vpop (xrf1);
	[tilespmem:v3+s7+$0x0] =	vst.idx.add.f32.msk vm2, v10  }
0xab: {  	v3 =	vld [tilespmem:s20+$0x50]  }
0xac: {  	v8 =	vcvt.s32.f32 v8;
	_, v10, vm2 =	vpop (xrf1);
	[tilespmem:v4+s7+$0x0] =	vst.idx.add.f32.msk vm3, v11;
	v1 =	vadd.s32 $0x1, v1  }
0xad: {  	v4 =	vld [tilespmem:s18+$0x40];
	(xrf1) =	vunique.msk.u32 $0xffff, v1  }
0xae: {  	v9 =	vcvt.s32.f32 v9;
	[tilespmem:v5+s7+$0x0] =	vst.idx.add.f32.msk vm0, v8;
	v2 =	vadd.s32 $0x1, v2  }
0xaf: {  	v5 =	vld [tilespmem:s16+$0x30];
	(xrf1) =	vunique.msk.u32 $0xffff, v2  }
0xb0: {  	v8 =	vcvt.s32.f32 v10;
	[tilespmem:v6+s7+$0x0] =	vst.idx.add.f32.msk vm1, v9;
	v3 =	vadd.s32 $0x1, v3  }
0xb1: {  	v6 =	vld [tilespmem:s14+$0x20];
	(xrf1) =	vunique.msk.u32 $0xffff, v3  }
0xb2: {  	s23 =	simm.s32 $0x700;
	s15 =	simm.s32 $0x380;
	[tilespmem:v7+s7+$0x0] =	vst.idx.add.f32.msk vm2, v8;
	v4 =	vadd.s32 $0x1, v4  }
0xb3: {  	s15 =	sand.u32 $0x380, s15;
	s13 =	sand.u32 $0x7800, s23;
	v7 =	vld [tilespmem:s12+$0x10];
	(xrf1) =	vunique.msk.u32 $0xffff, v4  }
0xb4: {  	s13 =	sor.u32 s15, s13;
	v5 =	vadd.s32 $0x1, v5  }
0xb5: {  	v8 =	vld [tilespmem:s13+$0x0];
	(xrf1) =	vunique.msk.u32 $0xffff, v5  }
0xb6: {  	v6 =	vadd.s32 $0x1, v6  }
0xb7: {  	(xrf1) =	vunique.msk.u32 $0xffff, v6  }
0xb8: {  	v7 =	vadd.s32 $0x1, v7  }
0xb9: {  	(xrf1) =	vunique.msk.u32 $0xffff, v7  }
0xba: {  	v8 =	vadd.s32 $0x1, v8  }
0xbb: {  	(xrf1) =	vunique.msk.u32 $0xffff, v8;
	_, v9, vm0 =	vpop (xrf1);
	_ =	sdelay $0x1  }
0xbc: {  	_, v10, vm1 =	vpop (xrf1)  }
0xbd: {  	v9 =	vcvt.s32.f32 v9  }
0xbe: {  	_, v11, vm2 =	vpop (xrf1)  }
0xbf: {  	v10 =	vcvt.s32.f32 v10  }
0xc0: {  	_, v12, vm3 =	vpop (xrf1);
	[tilespmem:v1+s7+$0x0] =	vst.idx.add.f32.msk vm0, v9  }
0xc1: {  	v11 =	vcvt.s32.f32 v11;
	v1 =	vld [tilespmem:s24+$0x400]  }
0xc2: {  	_, v9, vm0 =	vpop (xrf1);
	[tilespmem:v2+s7+$0x0] =	vst.idx.add.f32.msk vm1, v10  }
0xc3: {  	v12 =	vcvt.s32.f32 v12;
	v2 =	vld [tilespmem:s22+$0x70]  }
0xc4: {  	_, v10, vm1 =	vpop (xrf1);
	[tilespmem:v3+s7+$0x0] =	vst.idx.add.f32.msk vm2, v11  }
0xc5: {  	v3 =	vld [tilespmem:s20+$0x60]  }
0xc6: {  	v9 =	vcvt.s32.f32 v9;
	_, v11, vm2 =	vpop (xrf1);
	[tilespmem:v4+s7+$0x0] =	vst.idx.add.f32.msk vm3, v12;
	v1 =	vadd.s32 $0x1, v1  }
0xc7: {  	v4 =	vld [tilespmem:s18+$0x50];
	(xrf1) =	vunique.msk.u32 $0xffff, v1  }
0xc8: {  	v10 =	vcvt.s32.f32 v10;
	_, v12, vm3 =	vpop (xrf1);
	[tilespmem:v5+s7+$0x0] =	vst.idx.add.f32.msk vm0, v9;
	v2 =	vadd.s32 $0x1, v2  }
0xc9: {  	v5 =	vld [tilespmem:s16+$0x40];
	(xrf1) =	vunique.msk.u32 $0xffff, v2  }
0xca: {  	v9 =	vcvt.s32.f32 v11;
	[tilespmem:v6+s7+$0x0] =	vst.idx.add.f32.msk vm1, v10;
	v3 =	vadd.s32 $0x1, v3  }
0xcb: {  	v6 =	vld [tilespmem:s14+$0x30];
	(xrf1) =	vunique.msk.u32 $0xffff, v3  }
0xcc: {  	v10 =	vcvt.s32.f32 v12;
	[tilespmem:v7+s7+$0x0] =	vst.idx.add.f32.msk vm2, v9;
	v4 =	vadd.s32 $0x1, v4  }
0xcd: {  	v7 =	vld [tilespmem:s12+$0x20];
	(xrf1) =	vunique.msk.u32 $0xffff, v4  }
0xce: {  	[tilespmem:v8+s7+$0x0] =	vst.idx.add.f32.msk vm3, v10;
	v5 =	vadd.s32 $0x1, v5  }
0xcf: {  	s25 =	simm.s32 $0x800;
	s17 =	simm.s32 $0x400;
	v8 =	vld [tilespmem:s13+$0x10];
	(xrf1) =	vunique.msk.u32 $0xffff, v5  }
0xd0: {  	s17 =	sand.u32 $0x380, s17;
	s15 =	sand.u32 $0x7800, s25;
	v6 =	vadd.s32 $0x1, v6  }
0xd1: {  	s15 =	sor.u32 s17, s15;
	(xrf1) =	vunique.msk.u32 $0xffff, v6  }
0xd2: {  	v9 =	vld [tilespmem:s15+$0x0];
	v7 =	vadd.s32 $0x1, v7  }
0xd3: {  	(xrf1) =	vunique.msk.u32 $0xffff, v7  }
0xd4: {  	v8 =	vadd.s32 $0x1, v8  }
0xd5: {  	(xrf1) =	vunique.msk.u32 $0xffff, v8;
	_, v10, vm0 =	vpop (xrf1);
	_ =	sdelay $0x1  }
0xd6: {  	v9 =	vadd.s32 $0x1, v9;
	_, v11, vm1 =	vpop (xrf1)  }
0xd7: {  	(xrf1) =	vunique.msk.u32 $0xffff, v9;
	v10 =	vcvt.s32.f32 v10  }
0xd8: {  	_, v12, vm2 =	vpop (xrf1)  }
0xd9: {  	v11 =	vcvt.s32.f32 v11  }
0xda: {  	_, v13, vm3 =	vpop (xrf1);
	[tilespmem:v1+s7+$0x0] =	vst.idx.add.f32.msk vm0, v10  }
0xdb: {  	v12 =	vcvt.s32.f32 v12;
	v1 =	vld [tilespmem:s24+$0x410]  }
0xdc: {  	_, v10, vm0 =	vpop (xrf1);
	[tilespmem:v2+s7+$0x0] =	vst.idx.add.f32.msk vm1, v11  }
0xdd: {  	v13 =	vcvt.s32.f32 v13;
	v2 =	vld [tilespmem:s22+$0x400]  }
0xde: {  	_, v11, vm1 =	vpop (xrf1);
	[tilespmem:v3+s7+$0x0] =	vst.idx.add.f32.msk vm2, v12  }
0xdf: {  	v3 =	vld [tilespmem:s20+$0x70]  }
0xe0: {  	v10 =	vcvt.s32.f32 v10;
	_, v12, vm2 =	vpop (xrf1);
	[tilespmem:v4+s7+$0x0] =	vst.idx.add.f32.msk vm3, v13;
	v1 =	vadd.s32 $0x1, v1  }
0xe1: {  	v4 =	vld [tilespmem:s18+$0x60];
	(xrf1) =	vunique.msk.u32 $0xffff, v1  }
0xe2: {  	v11 =	vcvt.s32.f32 v11;
	_, v13, vm3 =	vpop (xrf1);
	[tilespmem:v5+s7+$0x0] =	vst.idx.add.f32.msk vm0, v10;
	v2 =	vadd.s32 $0x1, v2  }
0xe3: {  	v5 =	vld [tilespmem:s16+$0x50];
	(xrf1) =	vunique.msk.u32 $0xffff, v2  }
0xe4: {  	v12 =	vcvt.s32.f32 v12;
	[tilespmem:v6+s7+$0x0] =	vst.idx.add.f32.msk vm1, v11;
	v3 =	vadd.s32 $0x1, v3  }
0xe5: {  	_, v10, vm0 =	vpop (xrf1);
	v6 =	vld [tilespmem:s14+$0x40];
	(xrf1) =	vunique.msk.u32 $0xffff, v3  }
0xe6: {  	v11 =	vcvt.s32.f32 v13;
	[tilespmem:v7+s7+$0x0] =	vst.idx.add.f32.msk vm2, v12;
	v4 =	vadd.s32 $0x1, v4  }
0xe7: {  	v7 =	vld [tilespmem:s12+$0x30];
	(xrf1) =	vunique.msk.u32 $0xffff, v4  }
0xe8: {  	[tilespmem:v8+s7+$0x0] =	vst.idx.add.f32.msk vm3, v11;
	v5 =	vadd.s32 $0x1, v5  }
0xe9: {  	v10 =	vcvt.s32.f32 v10;
	v8 =	vld [tilespmem:s13+$0x20];
	(xrf1) =	vunique.msk.u32 $0xffff, v5  }
0xea: {  	v6 =	vadd.s32 $0x1, v6  }
0xeb: {  	s26 =	simm.s32 $0x900;
	s19 =	simm.s32 $0x480;
	[tilespmem:v9+s7+$0x0] =	vst.idx.add.f32.msk vm0, v10;
	(xrf1) =	vunique.msk.u32 $0xffff, v6  }
0xec: {  	s19 =	sand.u32 $0x380, s19;
	s17 =	sand.u32 $0x7800, s26;
	v9 =	vld [tilespmem:s15+$0x10];
	v7 =	vadd.s32 $0x1, v7  }
0xed: {  	s17 =	sor.u32 s19, s17;
	(xrf1) =	vunique.msk.u32 $0xffff, v7  }
0xee: {  	v10 =	vld [tilespmem:s17+$0x0];
	v8 =	vadd.s32 $0x1, v8  }
0xef: {  	(xrf1) =	vunique.msk.u32 $0xffff, v8;
	_, v11, vm0 =	vpop (xrf1);
	_ =	sdelay $0x1  }
0xf0: {  	v9 =	vadd.s32 $0x1, v9;
	_, v12, vm1 =	vpop (xrf1)  }
0xf1: {  	(xrf1) =	vunique.msk.u32 $0xffff, v9;
	v11 =	vcvt.s32.f32 v11  }
0xf2: {  	v10 =	vadd.s32 $0x1, v10;
	_, v13, vm2 =	vpop (xrf1)  }
0xf3: {  	(xrf1) =	vunique.msk.u32 $0xffff, v10;
	v12 =	vcvt.s32.f32 v12  }
0xf4: {  	_, v14, vm3 =	vpop (xrf1);
	[tilespmem:v1+s7+$0x0] =	vst.idx.add.f32.msk vm0, v11  }
0xf5: {  	v13 =	vcvt.s32.f32 v13;
	v1 =	vld [tilespmem:s24+$0x420]  }
0xf6: {  	_, v11, vm0 =	vpop (xrf1);
	[tilespmem:v2+s7+$0x0] =	vst.idx.add.f32.msk vm1, v12  }
0xf7: {  	v14 =	vcvt.s32.f32 v14;
	v2 =	vld [tilespmem:s22+$0x410]  }
0xf8: {  	_, v12, vm1 =	vpop (xrf1);
	[tilespmem:v3+s7+$0x0] =	vst.idx.add.f32.msk vm2, v13  }
0xf9: {  	v3 =	vld [tilespmem:s20+$0x400]  }
0xfa: {  	v11 =	vcvt.s32.f32 v11;
	_, v13, vm2 =	vpop (xrf1);
	[tilespmem:v4+s7+$0x0] =	vst.idx.add.f32.msk vm3, v14;
	v1 =	vadd.s32 $0x1, v1  }
0xfb: {  	v4 =	vld [tilespmem:s18+$0x70];
	(xrf1) =	vunique.msk.u32 $0xffff, v1  }
0xfc: {  	v12 =	vcvt.s32.f32 v12;
	_, v14, vm3 =	vpop (xrf1);
	[tilespmem:v5+s7+$0x0] =	vst.idx.add.f32.msk vm0, v11;
	v2 =	vadd.s32 $0x1, v2  }
0xfd: {  	v5 =	vld [tilespmem:s16+$0x60];
	(xrf1) =	vunique.msk.u32 $0xffff, v2  }
0xfe: {  	v13 =	vcvt.s32.f32 v13;
	[tilespmem:v6+s7+$0x0] =	vst.idx.add.f32.msk vm1, v12;
	v3 =	vadd.s32 $0x1, v3  }
0xff: {  	_, v11, vm0 =	vpop (xrf1);
	v6 =	vld [tilespmem:s14+$0x50];
	(xrf1) =	vunique.msk.u32 $0xffff, v3  }
0x100: {  	v14 =	vcvt.s32.f32 v14;
	[tilespmem:v7+s7+$0x0] =	vst.idx.add.f32.msk vm2, v13;
	v4 =	vadd.s32 $0x1, v4  }
0x101: {  	_, v12, vm1 =	vpop (xrf1);
	v7 =	vld [tilespmem:s12+$0x40];
	(xrf1) =	vunique.msk.u32 $0xffff, v4  }
0x102: {  	[tilespmem:v8+s7+$0x0] =	vst.idx.add.f32.msk vm3, v14;
	v5 =	vadd.s32 $0x1, v5  }
0x103: {  	v11 =	vcvt.s32.f32 v11;
	v8 =	vld [tilespmem:s13+$0x30];
	(xrf1) =	vunique.msk.u32 $0xffff, v5  }
0x104: {  	v12 =	vcvt.s32.f32 v12;
	v6 =	vadd.s32 $0x1, v6  }
0x105: {  	[tilespmem:v9+s7+$0x0] =	vst.idx.add.f32.msk vm0, v11;
	(xrf1) =	vunique.msk.u32 $0xffff, v6  }
0x106: {  	v7 =	vadd.s32 $0x1, v7;
	v9 =	vld [tilespmem:s15+$0x20]  }
0x107: {  	[tilespmem:v10+s7+$0x0] =	vst.idx.add.f32.msk vm1, v12;
	(xrf1) =	vunique.msk.u32 $0xffff, v7  }
0x108: {  	s28 =	simm.s32 $0xA00;
	s21 =	simm.s32 $0x500;
	v8 =	vadd.s32 $0x1, v8;
	v10 =	vld [tilespmem:s17+$0x10]  }
0x109: {  	s21 =	sand.u32 $0x380, s21;
	s19 =	sand.u32 $0x7800, s28;
	(xrf1) =	vunique.msk.u32 $0xffff, v8;
	_, v12, vm0 =	vpop (xrf1)  }
0x10a: {  	s19 =	sor.u32 s21, s19  }
0x10b: {  	v11 =	vld [tilespmem:s19+$0x0];
	v9 =	vadd.s32 $0x1, v9;
	_, v13, vm1 =	vpop (xrf1)  }
0x10c: {  	(xrf1) =	vunique.msk.u32 $0xffff, v9;
	v12 =	vcvt.s32.f32 v12  }
0x10d: {  	v10 =	vadd.s32 $0x1, v10;
	_, v14, vm2 =	vpop (xrf1)  }
0x10e: {  	(xrf1) =	vunique.msk.u32 $0xffff, v10;
	v13 =	vcvt.s32.f32 v13  }
0x10f: {  	_, v15, vm3 =	vpop (xrf1);
	[tilespmem:v1+s7+$0x0] =	vst.idx.add.f32.msk vm0, v12  }
0x110: {  	v11 =	vadd.s32 $0x1, v11;
	v14 =	vcvt.s32.f32 v14;
	v1 =	vld [tilespmem:s24+$0x430]  }
0x111: {  	(xrf1) =	vunique.msk.u32 $0xffff, v11;
	_, v12, vm0 =	vpop (xrf1);
	[tilespmem:v2+s7+$0x0] =	vst.idx.add.f32.msk vm1, v13  }
0x112: {  	v15 =	vcvt.s32.f32 v15;
	v2 =	vld [tilespmem:s22+$0x420]  }
0x113: {  	_, v13, vm1 =	vpop (xrf1);
	[tilespmem:v3+s7+$0x0] =	vst.idx.add.f32.msk vm2, v14  }
0x114: {  	v3 =	vld [tilespmem:s20+$0x410]  }
0x115: {  	v12 =	vcvt.s32.f32 v12;
	_, v14, vm2 =	vpop (xrf1);
	[tilespmem:v4+s7+$0x0] =	vst.idx.add.f32.msk vm3, v15  }
0x116: {  	v4 =	vld [tilespmem:s18+$0x400];
	v1 =	vadd.s32 $0x1, v1  }
0x117: {  	v13 =	vcvt.s32.f32 v13;
	_, v15, vm3 =	vpop (xrf1);
	[tilespmem:v5+s7+$0x0] =	vst.idx.add.f32.msk vm0, v12;
	(xrf1) =	vunique.msk.u32 $0xffff, v1  }
0x118: {  	v2 =	vadd.s32 $0x1, v2;
	v5 =	vld [tilespmem:s16+$0x70]  }
0x119: {  	v14 =	vcvt.s32.f32 v14;
	[tilespmem:v6+s7+$0x0] =	vst.idx.add.f32.msk vm1, v13;
	(xrf1) =	vunique.msk.u32 $0xffff, v2  }
0x11a: {  	_, v12, vm0 =	vpop (xrf1);
	v3 =	vadd.s32 $0x1, v3;
	v6 =	vld [tilespmem:s14+$0x60]  }
0x11b: {  	v15 =	vcvt.s32.f32 v15;
	[tilespmem:v7+s7+$0x0] =	vst.idx.add.f32.msk vm2, v14;
	(xrf1) =	vunique.msk.u32 $0xffff, v3  }
0x11c: {  	_, v13, vm1 =	vpop (xrf1);
	v4 =	vadd.s32 $0x1, v4;
	v7 =	vld [tilespmem:s12+$0x50]  }
0x11d: {  	[tilespmem:v8+s7+$0x0] =	vst.idx.add.f32.msk vm3, v15;
	(xrf1) =	vunique.msk.u32 $0xffff, v4  }
0x11e: {  	v12 =	vcvt.s32.f32 v12;
	v8 =	vld [tilespmem:s13+$0x40];
	v5 =	vadd.s32 $0x1, v5  }
0x11f: {  	_, v14, vm2 =	vpop (xrf1);
	(xrf1) =	vunique.msk.u32 $0xffff, v5  }
0x120: {  	v13 =	vcvt.s32.f32 v13;
	v6 =	vadd.s32 $0x1, v6;
	[tilespmem:v9+s7+$0x0] =	vst.idx.add.f32.msk vm0, v12;
	v12 =	vcvt.s32.f32 v14  }
0x121: {  	(xrf1) =	vunique.msk.u32 $0xffff, v6;
	v9 =	vld [tilespmem:s15+$0x30]  }
0x122: {  	v7 =	vadd.s32 $0x1, v7;
	[tilespmem:v10+s7+$0x0] =	vst.idx.add.f32.msk vm1, v13  }
0x123: {  	(xrf1) =	vunique.msk.u32 $0xffff, v7;
	v8 =	vadd.s32 $0x1, v8;
	v10 =	vld [tilespmem:s17+$0x20]  }
0x124: {  	(xrf1) =	vunique.msk.u32 $0xffff, v8  }
0x125: {  	s29 =	simm.s32 $0xB00;
	s23 =	simm.s32 $0x580;
	[tilespmem:v11+s7+$0x0] =	vst.idx.add.f32.msk vm2, v12;
	_, v12, vm0 =	vpop (xrf1)  }
0x126: {  	s23 =	sand.u32 $0x380, s23;
	s21 =	sand.u32 $0x7800, s29;
	v11 =	vld [tilespmem:s19+$0x10];
	v9 =	vadd.s32 $0x1, v9  }
0x127: {  	s21 =	sor.u32 s23, s21;
	(xrf1) =	vunique.msk.u32 $0xffff, v9;
	_, v14, vm1 =	vpop (xrf1)  }
0x128: {  	v13 =	vld [tilespmem:s21+$0x0];
	v10 =	vadd.s32 $0x1, v10  }
0x129: {  	(xrf1) =	vunique.msk.u32 $0xffff, v10;
	v12 =	vcvt.s32.f32 v12;
	_, v15, vm2 =	vpop (xrf1)  }
0x12a: {  	v14 =	vcvt.s32.f32 v14  }
0x12b: {  	v11 =	vadd.s32 $0x1, v11;
	_, v16, vm3 =	vpop (xrf1);
	[tilespmem:v1+s7+$0x0] =	vst.idx.add.f32.msk vm0, v12  }
0x12c: {  	(xrf1) =	vunique.msk.u32 $0xffff, v11;
	v15 =	vcvt.s32.f32 v15;
	v12 =	vld [tilespmem:s24+$0x440]  }
0x12d: {  	v16 =	vcvt.s32.f32 v16;
	v1 =	vadd.s32 $0x1, v13;
	_, v13, vm0 =	vpop (xrf1);
	[tilespmem:v2+s7+$0x0] =	vst.idx.add.f32.msk vm1, v14  }
0x12e: {  	(xrf1) =	vunique.msk.u32 $0xffff, v1;
	v2 =	vld [tilespmem:s22+$0x430]  }
0x12f: {  	_, v14, vm1 =	vpop (xrf1);
	[tilespmem:v3+s7+$0x0] =	vst.idx.add.f32.msk vm2, v15  }
0x130: {  	v13 =	vcvt.s32.f32 v13;
	v3 =	vld [tilespmem:s20+$0x420]  }
0x131: {  	_, v15, vm2 =	vpop (xrf1);
	[tilespmem:v4+s7+$0x0] =	vst.idx.add.f32.msk vm3, v16  }
0x132: {  	v14 =	vcvt.s32.f32 v14;
	_, v16, vm3 =	vpop (xrf1);
	v4 =	vadd.s32 $0x1, v12;
	v12 =	vld [tilespmem:s18+$0x410]  }
0x133: {  	[tilespmem:v5+s7+$0x0] =	vst.idx.add.f32.msk vm0, v13;
	(xrf1) =	vunique.msk.u32 $0xffff, v4  }
0x134: {  	v2 =	vadd.s32 $0x1, v2;
	v5 =	vld [tilespmem:s16+$0x400]  }
0x135: {  	v15 =	vcvt.s32.f32 v15;
	[tilespmem:v6+s7+$0x0] =	vst.idx.add.f32.msk vm1, v14;
	(xrf1) =	vunique.msk.u32 $0xffff, v2;
	_, v13, vm0 =	vpop (xrf1)  }
0x136: {  	v16 =	vcvt.s32.f32 v16;
	v3 =	vadd.s32 $0x1, v3;
	v6 =	vld [tilespmem:s14+$0x70]  }
0x137: {  	[tilespmem:v7+s7+$0x0] =	vst.idx.add.f32.msk vm2, v15;
	(xrf1) =	vunique.msk.u32 $0xffff, v3;
	_, v14, vm1 =	vpop (xrf1)  }
0x138: {  	[tilespmem:v8+s7+$0x0] =	vst.idx.add.f32.msk vm3, v16;
	v7 =	vadd.s32 $0x1, v12  }
0x139: {  	v13 =	vcvt.s32.f32 v13;
	v12 =	vld [tilespmem:s12+$0x60];
	(xrf1) =	vunique.msk.u32 $0xffff, v7  }
0x13a: {  	_, v15, vm2 =	vpop (xrf1);
	v8 =	vld [tilespmem:s13+$0x50];
	v5 =	vadd.s32 $0x1, v5  }
0x13b: {  	v14 =	vcvt.s32.f32 v14;
	(xrf1) =	vunique.msk.u32 $0xffff, v5;
	[tilespmem:v9+s7+$0x0] =	vst.idx.add.f32.msk vm0, v13  }
0x13c: {  	v6 =	vadd.s32 $0x1, v6;
	v13 =	vcvt.s32.f32 v15;
	_, v16, vm3 =	vpop (xrf1);
	v9 =	vld [tilespmem:s15+$0x40]  }
0x13d: {  	(xrf1) =	vunique.msk.u32 $0xffff, v6;
	[tilespmem:v10+s7+$0x0] =	vst.idx.add.f32.msk vm1, v14  }
0x13e: {  	v10 =	vadd.s32 $0x1, v12;
	v12 =	vld [tilespmem:s17+$0x30]  }
0x13f: {  	(xrf1) =	vunique.msk.u32 $0xffff, v10  }
0x140: {  	v8 =	vadd.s32 $0x1, v8;
	v14 =	vcvt.s32.f32 v16;
	[tilespmem:v11+s7+$0x0] =	vst.idx.add.f32.msk vm2, v13  }
0x141: {  	v11 =	vld [tilespmem:s19+$0x20];
	(xrf1) =	vunique.msk.u32 $0xffff, v8;
	_, v13, vm0 =	vpop (xrf1)  }
0x142: {  	[tilespmem:v1+s7+$0x0] =	vst.idx.add.f32.msk vm3, v14;
	v14 =	vadd.s32 $0x1, v9  }
0x143: {  	s30 =	simm.s32 $0xC00;
	s25 =	simm.s32 $0x600;
	v12 =	vadd.s32 $0x1, v12;
	v1 =	vld [tilespmem:s21+$0x10];
	(xrf1) =	vunique.msk.u32 $0xffff, v14;
	_, v9, vm1 =	vpop (xrf1)  }
0x144: {  	s25 =	sand.u32 $0x380, s25;
	s23 =	sand.u32 $0x7800, s30;
	(xrf1) =	vunique.msk.u32 $0xffff, v12  }
0x145: {  	s23 =	sor.u32 s25, s23;
	v13 =	vcvt.s32.f32 v13;
	_, v16, vm2 =	vpop (xrf1)  }
0x146: {  	v15 =	vld [tilespmem:s23+$0x0]  }
0x147: {  	v17 =	vadd.s32 $0x1, v11;
	v9 =	vcvt.s32.f32 v9;
	_, v11, vm3 =	vpop (xrf1);
	[tilespmem:v4+s7+$0x0] =	vst.idx.add.f32.msk vm0, v13  }
0x148: {  	(xrf1) =	vunique.msk.u32 $0xffff, v17;
	v16 =	vcvt.s32.f32 v16;
	v13 =	vadd.s32 $0x1, v1;
	v1 =	vld [tilespmem:s24+$0x450]  }
0x149: {  	_, v4, vm0 =	vpop (xrf1);
	[tilespmem:v2+s7+$0x0] =	vst.idx.add.f32.msk vm1, v9  }
0x14a: {  	v11 =	vcvt.s32.f32 v11;
	(xrf1) =	vunique.msk.u32 $0xffff, v13;
	v9 =	vld [tilespmem:s22+$0x440]  }
0x14b: {  	v2 =	vadd.s32 $0x1, v15;
	_, v15, vm1 =	vpop (xrf1);
	[tilespmem:v3+s7+$0x0] =	vst.idx.add.f32.msk vm2, v16  }
0x14c: {  	(xrf1) =	vunique.msk.u32 $0xffff, v2;
	v3 =	vld [tilespmem:s20+$0x430]  }
0x14d: {  	v4 =	vcvt.s32.f32 v4;
	v15 =	vcvt.s32.f32 v15;
	_, v16, vm2 =	vpop (xrf1);
	[tilespmem:v7+s7+$0x0] =	vst.idx.add.f32.msk vm3, v11  }
0x14e: {  	v7 =	vld [tilespmem:s18+$0x420];
	v1 =	vadd.s32 $0x1, v1  }
0x14f: {  	_, v11, vm3 =	vpop (xrf1);
	[tilespmem:v5+s7+$0x0] =	vst.idx.add.f32.msk vm0, v4;
	(xrf1) =	vunique.msk.u32 $0xffff, v1  }
0x150: {  	v9 =	vadd.s32 $0x1, v9;
	v4 =	vld [tilespmem:s16+$0x410]  }
0x151: {  	v16 =	vcvt.s32.f32 v16;
	(xrf1) =	vunique.msk.u32 $0xffff, v9;
	[tilespmem:v6+s7+$0x0] =	vst.idx.add.f32.msk vm1, v15;
	_, v5, vm0 =	vpop (xrf1)  }
0x152: {  	v3 =	vadd.s32 $0x1, v3;
	v6 =	vld [tilespmem:s14+$0x400];
	_, v15, vm1 =	vpop (xrf1)  }
0x153: {  	v11 =	vcvt.s32.f32 v11;
	(xrf1) =	vunique.msk.u32 $0xffff, v3;
	[tilespmem:v10+s7+$0x0] =	vst.idx.add.f32.msk vm2, v16  }
0x154: {  	v16 =	vld [tilespmem:s12+$0x70];
	v10 =	vadd.s32 $0x1, v7  }
0x155: {  	v5 =	vcvt.s32.f32 v5;
	[tilespmem:v8+s7+$0x0] =	vst.idx.add.f32.msk vm3, v11;
	(xrf1) =	vunique.msk.u32 $0xffff, v10  }
0x156: {  	_, v18, vm2 =	vpop (xrf1);
	v8 =	vcvt.s32.f32 v15;
	v19 =	vld [tilespmem:s13+$0x60];
	v11 =	vadd.s32 $0x1, v4  }
0x157: {  	(xrf1) =	vunique.msk.u32 $0xffff, v11;
	[tilespmem:v14+s7+$0x0] =	vst.idx.add.f32.msk vm0, v5  }
0x158: {  	_, v20, vm3 =	vpop (xrf1);
	[tilespmem:v12+s7+$0x0] =	vst.idx.add.f32.msk vm1, v8;
	v8 =	vadd.s32 $0x1, v6  }
0x159: {  	v5 =	vld [tilespmem:s15+$0x50];
	(xrf1) =	vunique.msk.u32 $0xffff, v8  }
0x15a: {  	v14 =	vcvt.s32.f32 v18;
	_, v7, vm4 =	vpop (xrf1);
	v6 =	vadd.s32 $0x1, v16  }
0x15b: {  	v15 =	vld [tilespmem:s17+$0x40];
	(xrf1) =	vunique.msk.u32 $0xffff, v6  }
0x15c: {  	v18 =	vcvt.s32.f32 v20;
	[tilespmem:v17+s7+$0x0] =	vst.idx.add.f32.msk vm2, v14;
	v4 =	vadd.s32 $0x1, v19  }
0x15d: {  	v12 =	vld [tilespmem:s19+$0x30];
	(xrf1) =	vunique.msk.u32 $0xffff, v4;
	_, v17, vm0 =	vpop (xrf1)  }
0x15e: {  	v7 =	vcvt.s32.f32 v7;
	[tilespmem:v13+s7+$0x0] =	vst.idx.add.f32.msk vm3, v18;
	v5 =	vadd.s32 $0x1, v5  }
0x15f: {  	s31 =	simm.s32 $0xD00;
	s25 =	simm.s32 $0x680;
	v13 =	vld [tilespmem:s21+$0x20];
	(xrf1) =	vunique.msk.u32 $0xffff, v5;
	_, v14, vm1 =	vpop (xrf1)  }
0x160: {  	s26 =	sand.u32 $0x380, s25;
	s24 =	sand.u32 $0x7800, s31;
	[tilespmem:v2+s7+$0x0] =	vst.idx.add.f32.msk vm4, v7;
	v7 =	vadd.s32 $0x1, v15  }
0x161: {  	s24 =	sor.u32 s26, s24;
	s26 =	simm.s32 $0xE00;
	v2 =	vcvt.s32.f32 v17;
	v15 =	vld [tilespmem:s23+$0x10];
	(xrf1) =	vunique.msk.u32 $0xffff, v7;
	_, v16, vm2 =	vpop (xrf1)  }
.LBB2_4:
0x162: {  	p0 =	sne.s32 s26, $0x6F00;
	v17 =	vld [tilespmem:s24+$0x0];
	v12 =	vadd.s32 $0x1, v12  }
0x163: {  	v14 =	vcvt.s32.f32 v14;
	(xrf1) =	vunique.msk.u32 $0xffff, v12;
	_, v18, vm3 =	vpop (xrf1);
	[tilespmem:v1+s7+$0x0] =	vst.idx.add.f32.msk vm0, v2  }
0x164: {  	v2 =	vadd.s32 $0x1, v13  }
0x165: {  	v19 =	vcvt.s32.f32 v16;
	(xrf1) =	vunique.msk.u32 $0xffff, v2;
	_, v1, vm0 =	vpop (xrf1);
	[tilespmem:v9+s7+$0x0] =	vst.idx.add.f32.msk vm1, v14  }
0x166: {  	v14 =	vadd.s32 $0x1, v15;
	v9 =	vld [tilespmem:s22+$0x450];
	s22 =	smov.u32 s20;
	s20 =	smov.u32 s18;
	s18 =	smov.u32 s16  }
0x167: {  	v18 =	vcvt.s32.f32 v18;
	s16 =	smov.u32 s14;
	s14 =	smov.u32 s12;
	s12 =	smov.u32 s13;
	(xrf1) =	vunique.msk.u32 $0xffff, v14;
	_, v15, vm1 =	vpop (xrf1);
	[tilespmem:v3+s7+$0x0] =	vst.idx.add.f32.msk vm2, v19  }
0x168: {  	s13 =	smov.u32 s15;
	s15 =	smov.u32 s17;
	s17 =	smov.u32 s19;
	v17 =	vadd.s32 $0x1, v17;
	v3 =	vld [tilespmem:s22+$0x440]  }
0x169: {  	v1 =	vcvt.s32.f32 v1;
	s19 =	smov.u32 s21;
	s21 =	smov.u32 s23;
	s23 =	smov.u32 s24;
	(xrf1) =	vunique.msk.u32 $0xffff, v17;
	_, v13, vm2 =	vpop (xrf1);
	[tilespmem:v10+s7+$0x0] =	vst.idx.add.f32.msk vm3, v18  }
0x16a: {  	v10 =	vld [tilespmem:s20+$0x430]  }
0x16b: {  	v19 =	vcvt.s32.f32 v15;
	_, v16, vm3 =	vpop (xrf1);
	[tilespmem:v11+s7+$0x0] =	vst.idx.add.f32.msk vm0, v1;
	v1 =	vadd.s32 $0x1, v9  }
0x16c: {  	v11 =	vld [tilespmem:s18+$0x420];
	(xrf1) =	vunique.msk.u32 $0xffff, v1  }
0x16d: {  	v20 =	vcvt.s32.f32 v13;
	_, v18, vm0 =	vpop (xrf1);
	[tilespmem:v8+s7+$0x0] =	vst.idx.add.f32.msk vm1, v19;
	v9 =	vadd.s32 $0x1, v3  }
0x16e: {  	v8 =	vld [tilespmem:s16+$0x410];
	(xrf1) =	vunique.msk.u32 $0xffff, v9  }
0x16f: {  	v19 =	vcvt.s32.f32 v16;
	_, v15, vm1 =	vpop (xrf1);
	[tilespmem:v6+s7+$0x0] =	vst.idx.add.f32.msk vm2, v20;
	v3 =	vadd.s32 $0x1, v10  }
0x170: {  	v6 =	vld [tilespmem:s14+$0x400];
	(xrf1) =	vunique.msk.u32 $0xffff, v3  }
0x171: {  	v20 =	vcvt.s32.f32 v18;
	_, v13, vm2 =	vpop (xrf1);
	[tilespmem:v4+s7+$0x0] =	vst.idx.add.f32.msk vm3, v19;
	v10 =	vadd.s32 $0x1, v11  }
0x172: {  	v4 =	vld [tilespmem:s12+$0x70];
	(xrf1) =	vunique.msk.u32 $0xffff, v10  }
0x173: {  	v19 =	vcvt.s32.f32 v15;
	_, v16, vm3 =	vpop (xrf1);
	[tilespmem:v5+s7+$0x0] =	vst.idx.add.f32.msk vm0, v20;
	v11 =	vadd.s32 $0x1, v8  }
0x174: {  	v5 =	vld [tilespmem:s13+$0x60];
	(xrf1) =	vunique.msk.u32 $0xffff, v11  }
0x175: {  	v13 =	vcvt.s32.f32 v13;
	_, v18, vm4 =	vpop (xrf1);
	[tilespmem:v7+s7+$0x0] =	vst.idx.add.f32.msk vm1, v19;
	v8 =	vadd.s32 $0x1, v6  }
0x176: {  	v7 =	vld [tilespmem:s15+$0x50];
	(xrf1) =	vunique.msk.u32 $0xffff, v8  }
0x177: {  	v16 =	vcvt.s32.f32 v16;
	_, v15, vm5 =	vpop (xrf1);
	[tilespmem:v12+s7+$0x0] =	vst.idx.add.f32.msk vm2, v13;
	v6 =	vadd.s32 $0x1, v4  }
0x178: {  	v19 =	vld [tilespmem:s17+$0x40];
	(xrf1) =	vunique.msk.u32 $0xffff, v6  }
0x179: {  	v13 =	vcvt.s32.f32 v18;
	[tilespmem:v2+s7+$0x0] =	vst.idx.add.f32.msk vm3, v16;
	v4 =	vadd.s32 $0x1, v5  }
.Ltmp1:
0x17a: {  	v12 =	vld [tilespmem:s19+$0x30];
	(xrf1) =	vunique.msk.u32 $0xffff, v4;
	_, v2, vm0 =	vpop (xrf1);
	(pc) =	sbr.rel @p0 .LBB2_4-.Ltmp1, $4  }
0x17b: {  	v15 =	vcvt.s32.f32 v15;
	[tilespmem:v14+s7+$0x0] =	vst.idx.add.f32.msk vm4, v13;
	v5 =	vadd.s32 $0x1, v7  }
0x17c: {  	s25 =	sadd.s32 $0x80, s25;
	v13 =	vld [tilespmem:s21+$0x20];
	(xrf1) =	vunique.msk.u32 $0xffff, v5;
	_, v14, vm1 =	vpop (xrf1)  }
0x17d: {  	s28 =	sand.u32 $0x380, s25;
	s24 =	sand.u32 $0x7800, s26;
	[tilespmem:v17+s7+$0x0] =	vst.idx.add.f32.msk vm5, v15;
	v7 =	vadd.s32 $0x1, v19  }
0x17e: {  	s26 =	sadd.s32 $0x100, s26;
	s24 =	sor.u32 s28, s24;
	v2 =	vcvt.s32.f32 v2;
	v15 =	vld [tilespmem:s23+$0x10];
	(xrf1) =	vunique.msk.u32 $0xffff, v7;
	_, v16, vm2 =	vpop (xrf1)  }
0x17f: {  	_ =	sdelay $0x1  }
0x180: {  	v12 =	vadd.s32 $0x1, v12  }
0x181: {  	v17 =	vld [tilespmem:s24+$0x0];
	v14 =	vcvt.s32.f32 v14;
	(xrf1) =	vunique.msk.u32 $0xffff, v12;
	_, v18, vm3 =	vpop (xrf1)  }
0x182: {  	v16 =	vcvt.s32.f32 v16;
	v13 =	vadd.s32 $0x1, v13  }
0x183: {  	[tilespmem:v9+s7+$0x0] =	vst.idx.add.f32.msk vm1, v14;
	(xrf1) =	vunique.msk.u32 $0xffff, v13;
	_, v19, vm4 =	vpop (xrf1)  }
0x184: {  	v18 =	vcvt.s32.f32 v18;
	[tilespmem:v3+s7+$0x0] =	vst.idx.add.f32.msk vm2, v16;
	v29 =	vadd.s32 $0x1, v15  }
0x185: {  	v14 =	vld [tilespmem:s22+$0x450];
	(xrf1) =	vunique.msk.u32 $0xffff, v29;
	_, v30, vm13 =	vpop (xrf1)  }
0x186: {  	v32 =	vld [tilespmem:s20+$0x440];
	v31 =	vadd.s32 $0x1, v17  }
0x187: {  	v3 =	vcvt.s32.f32 v19;
	(xrf1) =	vunique.msk.u32 $0xffff, v31;
	_, v20, vm14 =	vpop (xrf1);
	[tilespmem:v10+s7+$0x0] =	vst.idx.add.f32.msk vm3, v18  }
0x188: {  	v10 =	vld [tilespmem:s18+$0x430]  }
0x189: {  	v15 =	vcvt.s32.f32 v30;
	_, v18, vm3 =	vpop (xrf1);
	[tilespmem:v11+s7+$0x0] =	vst.idx.add.f32.msk vm4, v3  }
0x18a: {  	v3 =	vadd.s32 $0x1, v14;
	v11 =	vld [tilespmem:s16+$0x420]  }
0x18b: {  	v34 =	vcvt.s32.f32 v20;
	v35 =	vadd.s32 $0x1, v32;
	(xrf1) =	vunique.msk.u32 $0xffff, v3;
	_, v33, vm15 =	vpop (xrf1);
	[tilespmem:v8+s7+$0x0] =	vst.idx.add.f32.msk vm13, v15  }
0x18c: {  	v18 =	vcvt.s32.f32 v18;
	(xrf1) =	vunique.msk.u32 $0xffff, v35;
	v15 =	vld [tilespmem:s14+$0x410]  }
0x18d: {  	_, v36, vm8 =	vpop (xrf1);
	[tilespmem:v6+s7+$0x0] =	vst.idx.add.f32.msk vm14, v34;
	v37 =	vadd.s32 $0x1, v10  }
0x18e: {  	v38 =	vld [tilespmem:s12+$0x400];
	(xrf1) =	vunique.msk.u32 $0xffff, v37  }
0x18f: {  	v14 =	vcvt.s32.f32 v33;
	_, v19, vm2 =	vpop (xrf1);
	[tilespmem:v4+s7+$0x0] =	vst.idx.add.f32.msk vm3, v18;
	v11 =	vadd.s32 $0x1, v11  }
0x190: {  	v4 =	vld [tilespmem:s13+$0x70];
	(xrf1) =	vunique.msk.u32 $0xffff, v11  }
0x191: {  	v17 =	vcvt.s32.f32 v36;
	_, v18, vm3 =	vpop (xrf1);
	[tilespmem:v5+s7+$0x0] =	vst.idx.add.f32.msk vm15, v14;
	v39 =	vadd.s32 $0x1, v15  }
0x192: {  	v14 =	vld [tilespmem:s15+$0x60];
	(xrf1) =	vunique.msk.u32 $0xffff, v39  }
0x193: {  	v19 =	vcvt.s32.f32 v19;
	_, v40, vm9 =	vpop (xrf1);
	[tilespmem:v7+s7+$0x0] =	vst.idx.add.f32.msk vm8, v17;
	v41 =	vadd.s32 $0x1, v38  }
0x194: {  	v42 =	vld [tilespmem:s17+$0x50];
	(xrf1) =	vunique.msk.u32 $0xffff, v41  }
0x195: {  	v18 =	vcvt.s32.f32 v18;
	_, v43, vm5 =	vpop (xrf1);
	[tilespmem:v12+s7+$0x0] =	vst.idx.add.f32.msk vm2, v19;
	v44 =	vadd.s32 $0x1, v4  }
0x196: {  	v19 =	vld [tilespmem:s19+$0x40];
	(xrf1) =	vunique.msk.u32 $0xffff, v44  }
0x197: {  	v15 =	vcvt.s32.f32 v40;
	[tilespmem:v13+s7+$0x0] =	vst.idx.add.f32.msk vm3, v18;
	v45 =	vadd.s32 $0x1, v14  }
0x198: {  	v46 =	vld [tilespmem:s21+$0x30];
	(xrf1) =	vunique.msk.u32 $0xffff, v45  }
0x199: {  	v17 =	vcvt.s32.f32 v43;
	_, v4, vm1 =	vpop (xrf1);
	[tilespmem:v29+s7+$0x0] =	vst.idx.add.f32.msk vm9, v15;
	v47 =	vadd.s32 $0x1, v42  }
0x19a: {  	_, v49, vm10 =	vpop (xrf1);
	v48 =	vld [tilespmem:s23+$0x20];
	(xrf1) =	vunique.msk.u32 $0xffff, v47  }
0x19b: {  	[tilespmem:v31+s7+$0x0] =	vst.idx.add.f32.msk vm5, v17;
	v50 =	vadd.s32 $0x1, v19  }
0x19c: {  	v17 =	vld [tilespmem:s24+$0x10];
	(xrf1) =	vunique.msk.u32 $0xffff, v50;
	_, v18, vm3 =	vpop (xrf1)  }
0x19d: {  	v14 =	vadd.s32 $0x1, v46  }
0x19e: {  	v15 =	vcvt.s32.f32 v49;
	(xrf1) =	vunique.msk.u32 $0xffff, v14;
	_, v51, vm11 =	vpop (xrf1)  }
0x19f: {  	v18 =	vcvt.s32.f32 v18;
	v10 =	vadd.s32 $0x1, v48  }
0x1a0: {  	[tilespmem:v35+s7+$0x0] =	vst.idx.add.f32.msk vm10, v15;
	(xrf1) =	vunique.msk.u32 $0xffff, v10;
	_, v52, vm12 =	vpop (xrf1)  }
0x1a1: {  	v19 =	vcvt.s32.f32 v51;
	v53 =	vadd.s32 $0x1, v17;
	v15 =	vld [tilespmem:s20+$0x450]  }
0x1a2: {  	(xrf1) =	vunique.msk.u32 $0xffff, v53;
	_, v54, vm13 =	vpop (xrf1);
	[tilespmem:v37+s7+$0x0] =	vst.idx.add.f32.msk vm3, v18  }
0x1a3: {  	v20 =	vcvt.s32.f32 v52;
	v6 =	vld [tilespmem:s18+$0x440]  }
0x1a4: {  	_, v18, vm3 =	vpop (xrf1);
	[tilespmem:v11+s7+$0x0] =	vst.idx.add.f32.msk vm11, v19  }
0x1a5: {  	v17 =	vcvt.s32.f32 v54;
	v11 =	vld [tilespmem:s16+$0x430]  }
0x1a6: {  	_, v19, vm4 =	vpop (xrf1);
	[tilespmem:v39+s7+$0x0] =	vst.idx.add.f32.msk vm12, v20  }
0x1a7: {  	v5 =	vadd.s32 $0x1, v15;
	v18 =	vcvt.s32.f32 v18;
	v55 =	vld [tilespmem:s14+$0x420]  }
0x1a8: {  	(xrf1) =	vunique.msk.u32 $0xffff, v5;
	_, v20, vm5 =	vpop (xrf1);
	[tilespmem:v41+s7+$0x0] =	vst.idx.add.f32.msk vm13, v17;
	v56 =	vadd.s32 $0x1, v6  }
0x1a9: {  	v19 =	vcvt.s32.f32 v19;
	v57 =	vld [tilespmem:s12+$0x410];
	(xrf1) =	vunique.msk.u32 $0xffff, v56  }
0x1aa: {  	_, v17, vm2 =	vpop (xrf1);
	[tilespmem:v44+s7+$0x0] =	vst.idx.add.f32.msk vm3, v18;
	v11 =	vadd.s32 $0x1, v11  }
0x1ab: {  	v20 =	vcvt.s32.f32 v20;
	v12 =	vld [tilespmem:s13+$0x400];
	(xrf1) =	vunique.msk.u32 $0xffff, v11  }
0x1ac: {  	_, v18, vm3 =	vpop (xrf1);
	[tilespmem:v45+s7+$0x0] =	vst.idx.add.f32.msk vm4, v19;
	v58 =	vadd.s32 $0x1, v55  }
0x1ad: {  	v59 =	vld [tilespmem:s15+$0x70];
	(xrf1) =	vunique.msk.u32 $0xffff, v58  }
0x1ae: {  	v17 =	vcvt.s32.f32 v17;
	_, v19, vm4 =	vpop (xrf1);
	[tilespmem:v47+s7+$0x0] =	vst.idx.add.f32.msk vm5, v20;
	v60 =	vadd.s32 $0x1, v57  }
0x1af: {  	v61 =	vld [tilespmem:s17+$0x60];
	(xrf1) =	vunique.msk.u32 $0xffff, v60  }
0x1b0: {  	v18 =	vcvt.s32.f32 v18;
	_, v20, vm5 =	vpop (xrf1);
	[tilespmem:v50+s7+$0x0] =	vst.idx.add.f32.msk vm2, v17;
	v12 =	vadd.s32 $0x1, v12  }
0x1b1: {  	v16 =	vld [tilespmem:s19+$0x50];
	(xrf1) =	vunique.msk.u32 $0xffff, v12  }
0x1b2: {  	v62 =	vcvt.s32.f32 v19;
	[tilespmem:v14+s7+$0x0] =	vst.idx.add.f32.msk vm3, v18;
	v63 =	vadd.s32 $0x1, v59  }
0x1b3: {  	v22 =	vld [tilespmem:s21+$0x40];
	(xrf1) =	vunique.msk.u32 $0xffff, v63  }
0x1b4: {  	v23 =	vcvt.s32.f32 v20;
	[tilespmem:v10+s7+$0x0] =	vst.idx.add.f32.msk vm4, v62;
	v24 =	vadd.s32 $0x1, v61  }
0x1b5: {  	v17 =	vld [tilespmem:s23+$0x30];
	(xrf1) =	vunique.msk.u32 $0xffff, v24  }
0x1b6: {  	_, v6, vm2 =	vpop (xrf1);
	[tilespmem:v53+s7+$0x0] =	vst.idx.add.f32.msk vm5, v23;
	v25 =	vadd.s32 $0x1, v16  }
0x1b7: {  	v26 =	vld [tilespmem:s24+$0x20];
	(xrf1) =	vunique.msk.u32 $0xffff, v25;
	_, v27, vm14 =	vpop (xrf1)  }
0x1b8: {  	v15 =	vadd.s32 $0x1, v22  }
0x1b9: {  	(xrf1) =	vunique.msk.u32 $0xffff, v15;
	_, v28, vm15 =	vpop (xrf1)  }
0x1ba: {  	v18 =	vcvt.s32.f32 v27;
	v17 =	vadd.s32 $0x1, v17  }
0x1bb: {  	(xrf1) =	vunique.msk.u32 $0xffff, v17;
	_, v29, vm9 =	vpop (xrf1)  }
0x1bc: {  	v19 =	vcvt.s32.f32 v28;
	v16 =	vadd.s32 $0x1, v26  }
0x1bd: {  	(xrf1) =	vunique.msk.u32 $0xffff, v16;
	_, v21, vm6 =	vpop (xrf1);
	[tilespmem:v56+s7+$0x0] =	vst.idx.add.f32.msk vm14, v18  }
0x1be: {  	v20 =	vcvt.s32.f32 v29;
	v7 =	vld [tilespmem:s18+$0x450]  }
0x1bf: {  	_, v18, vm3 =	vpop (xrf1);
	[tilespmem:v11+s7+$0x0] =	vst.idx.add.f32.msk vm15, v19  }
0x1c0: {  	v21 =	vcvt.s32.f32 v21;
	v11 =	vld [tilespmem:s16+$0x440]  }
0x1c1: {  	_, v19, vm4 =	vpop (xrf1);
	[tilespmem:v58+s7+$0x0] =	vst.idx.add.f32.msk vm9, v20  }
0x1c2: {  	v18 =	vcvt.s32.f32 v18;
	v13 =	vld [tilespmem:s14+$0x430]  }
0x1c3: {  	_, v20, vm5 =	vpop (xrf1);
	[tilespmem:v60+s7+$0x0] =	vst.idx.add.f32.msk vm6, v21  }
0x1c4: {  	v19 =	vcvt.s32.f32 v19;
	v7 =	vadd.s32 $0x1, v7;
	v9 =	vld [tilespmem:s12+$0x420]  }
0x1c5: {  	(xrf1) =	vunique.msk.u32 $0xffff, v7;
	_, v21, vm6 =	vpop (xrf1);
	[tilespmem:v12+s7+$0x0] =	vst.idx.add.f32.msk vm3, v18;
	v11 =	vadd.s32 $0x1, v11  }
0x1c6: {  	v20 =	vcvt.s32.f32 v20;
	v12 =	vld [tilespmem:s13+$0x410];
	(xrf1) =	vunique.msk.u32 $0xffff, v11  }
0x1c7: {  	_, v18, vm3 =	vpop (xrf1);
	[tilespmem:v63+s7+$0x0] =	vst.idx.add.f32.msk vm4, v19;
	v13 =	vadd.s32 $0x1, v13  }
0x1c8: {  	v14 =	vld [tilespmem:s15+$0x400];
	(xrf1) =	vunique.msk.u32 $0xffff, v13  }
0x1c9: {  	v21 =	vcvt.s32.f32 v21;
	_, v19, vm4 =	vpop (xrf1);
	[tilespmem:v24+s7+$0x0] =	vst.idx.add.f32.msk vm5, v20;
	v9 =	vadd.s32 $0x1, v9  }
0x1ca: {  	v10 =	vld [tilespmem:s17+$0x70];
	(xrf1) =	vunique.msk.u32 $0xffff, v9  }
0x1cb: {  	v18 =	vcvt.s32.f32 v18;
	_, v20, vm5 =	vpop (xrf1);
	[tilespmem:v25+s7+$0x0] =	vst.idx.add.f32.msk vm6, v21;
	v12 =	vadd.s32 $0x1, v12  }
0x1cc: {  	v8 =	vld [tilespmem:s19+$0x60];
	(xrf1) =	vunique.msk.u32 $0xffff, v12  }
0x1cd: {  	v19 =	vcvt.s32.f32 v19;
	[tilespmem:v15+s7+$0x0] =	vst.idx.add.f32.msk vm3, v18;
	v14 =	vadd.s32 $0x1, v14  }
0x1ce: {  	v15 =	vld [tilespmem:s21+$0x50];
	(xrf1) =	vunique.msk.u32 $0xffff, v14  }
0x1cf: {  	v30 =	vcvt.s32.f32 v20;
	[tilespmem:v17+s7+$0x0] =	vst.idx.add.f32.msk vm4, v19;
	v10 =	vadd.s32 $0x1, v10  }
0x1d0: {  	v17 =	vld [tilespmem:s23+$0x40];
	(xrf1) =	vunique.msk.u32 $0xffff, v10  }
0x1d1: {  	[tilespmem:v16+s7+$0x0] =	vst.idx.add.f32.msk vm5, v30;
	v31 =	vadd.s32 $0x1, v8  }
0x1d2: {  	v18 =	vld [tilespmem:s24+$0x30];
	(xrf1) =	vunique.msk.u32 $0xffff, v31  }
0x1d3: {  	_, v8, vm3 =	vpop (xrf1);
	v15 =	vadd.s32 $0x1, v15  }
0x1d4: {  	(xrf1) =	vunique.msk.u32 $0xffff, v15;
	_, v19, vm4 =	vpop (xrf1)  }
0x1d5: {  	v17 =	vadd.s32 $0x1, v17  }
0x1d6: {  	(xrf1) =	vunique.msk.u32 $0xffff, v17;
	_, v32, vm10 =	vpop (xrf1)  }
0x1d7: {  	v19 =	vcvt.s32.f32 v19;
	v18 =	vadd.s32 $0x1, v18  }
0x1d8: {  	(xrf1) =	vunique.msk.u32 $0xffff, v18;
	_, v21, vm6 =	vpop (xrf1)  }
0x1d9: {  	v20 =	vcvt.s32.f32 v32  }
0x1da: {  	_, v22, vm7 =	vpop (xrf1);
	[tilespmem:v11+s7+$0x0] =	vst.idx.add.f32.msk vm4, v19  }
0x1db: {  	v11 =	vld [tilespmem:s16+$0x450]  }
0x1dc: {  	v21 =	vcvt.s32.f32 v21;
	_, v19, vm4 =	vpop (xrf1);
	[tilespmem:v13+s7+$0x0] =	vst.idx.add.f32.msk vm10, v20  }
0x1dd: {  	v13 =	vld [tilespmem:s14+$0x440]  }
0x1de: {  	v22 =	vcvt.s32.f32 v22;
	_, v20, vm5 =	vpop (xrf1);
	[tilespmem:v9+s7+$0x0] =	vst.idx.add.f32.msk vm6, v21  }
0x1df: {  	v19 =	vcvt.s32.f32 v19;
	v21 =	vld [tilespmem:s12+$0x430]  }
0x1e0: {  	_, v23, vm11 =	vpop (xrf1);
	[tilespmem:v12+s7+$0x0] =	vst.idx.add.f32.msk vm7, v22  }
0x1e1: {  	v9 =	vadd.s32 $0x1, v11;
	v33 =	vld [tilespmem:s13+$0x420]  }
0x1e2: {  	v20 =	vcvt.s32.f32 v20;
	(xrf1) =	vunique.msk.u32 $0xffff, v9;
	_, v12, vm7 =	vpop (xrf1);
	[tilespmem:v14+s7+$0x0] =	vst.idx.add.f32.msk vm4, v19;
	v13 =	vadd.s32 $0x1, v13  }
0x1e3: {  	v14 =	vld [tilespmem:s15+$0x410];
	(xrf1) =	vunique.msk.u32 $0xffff, v13  }
0x1e4: {  	v34 =	vcvt.s32.f32 v23;
	_, v19, vm4 =	vpop (xrf1);
	[tilespmem:v10+s7+$0x0] =	vst.idx.add.f32.msk vm5, v20;
	v35 =	vadd.s32 $0x1, v21  }
0x1e5: {  	v10 =	vld [tilespmem:s17+$0x400];
	(xrf1) =	vunique.msk.u32 $0xffff, v35  }
0x1e6: {  	v12 =	vcvt.s32.f32 v12;
	_, v36, vm12 =	vpop (xrf1);
	[tilespmem:v31+s7+$0x0] =	vst.idx.add.f32.msk vm11, v34;
	v11 =	vadd.s32 $0x1, v33  }
0x1e7: {  	v16 =	vld [tilespmem:s19+$0x70];
	(xrf1) =	vunique.msk.u32 $0xffff, v11  }
0x1e8: {  	v19 =	vcvt.s32.f32 v19;
	[tilespmem:v15+s7+$0x0] =	vst.idx.add.f32.msk vm7, v12;
	v37 =	vadd.s32 $0x1, v14  }
0x1e9: {  	v38 =	vld [tilespmem:s21+$0x60];
	(xrf1) =	vunique.msk.u32 $0xffff, v37  }
0x1ea: {  	v39 =	vcvt.s32.f32 v36;
	[tilespmem:v17+s7+$0x0] =	vst.idx.add.f32.msk vm4, v19;
	v40 =	vadd.s32 $0x1, v10  }
0x1eb: {  	v19 =	vld [tilespmem:s23+$0x50];
	(xrf1) =	vunique.msk.u32 $0xffff, v40  }
0x1ec: {  	[tilespmem:v18+s7+$0x0] =	vst.idx.add.f32.msk vm12, v39;
	v41 =	vadd.s32 $0x1, v16  }
0x1ed: {  	v42 =	vld [tilespmem:s24+$0x40];
	(xrf1) =	vunique.msk.u32 $0xffff, v41  }
0x1ee: {  	v14 =	vadd.s32 $0x1, v38  }
0x1ef: {  	(xrf1) =	vunique.msk.u32 $0xffff, v14  }
0x1f0: {  	_, v10, vm4 =	vpop (xrf1);
	v43 =	vadd.s32 $0x1, v19  }
0x1f1: {  	(xrf1) =	vunique.msk.u32 $0xffff, v43;
	_, v44, vm13 =	vpop (xrf1)  }
0x1f2: {  	v16 =	vadd.s32 $0x1, v42  }
0x1f3: {  	(xrf1) =	vunique.msk.u32 $0xffff, v16;
	_, v45, vm14 =	vpop (xrf1)  }
0x1f4: {  	v19 =	vcvt.s32.f32 v44  }
0x1f5: {  	_, v46, vm15 =	vpop (xrf1)  }
0x1f6: {  	v21 =	vcvt.s32.f32 v45  }
0x1f7: {  	_, v47, vm8 =	vpop (xrf1);
	[tilespmem:v13+s7+$0x0] =	vst.idx.add.f32.msk vm13, v19  }
0x1f8: {  	v13 =	vld [tilespmem:s14+$0x450]  }
0x1f9: {  	v22 =	vcvt.s32.f32 v46;
	_, v19, vm5 =	vpop (xrf1);
	[tilespmem:v35+s7+$0x0] =	vst.idx.add.f32.msk vm14, v21  }
0x1fa: {  	v20 =	vld [tilespmem:s12+$0x440]  }
0x1fb: {  	v23 =	vcvt.s32.f32 v47;
	_, v21, vm6 =	vpop (xrf1);
	[tilespmem:v11+s7+$0x0] =	vst.idx.add.f32.msk vm15, v22  }
0x1fc: {  	v22 =	vld [tilespmem:s13+$0x430]  }
0x1fd: {  	v19 =	vcvt.s32.f32 v19;
	_, v24, vm12 =	vpop (xrf1);
	[tilespmem:v37+s7+$0x0] =	vst.idx.add.f32.msk vm8, v23  }
0x1fe: {  	v11 =	vadd.s32 $0x1, v13;
	v12 =	vld [tilespmem:s15+$0x420]  }
0x1ff: {  	v21 =	vcvt.s32.f32 v21;
	(xrf1) =	vunique.msk.u32 $0xffff, v11;
	_, v48, vm13 =	vpop (xrf1);
	[tilespmem:v40+s7+$0x0] =	vst.idx.add.f32.msk vm5, v19;
	v49 =	vadd.s32 $0x1, v20  }
0x200: {  	v19 =	vld [tilespmem:s17+$0x410];
	(xrf1) =	vunique.msk.u32 $0xffff, v49  }
0x201: {  	v51 =	vcvt.s32.f32 v24;
	_, v50, vm14 =	vpop (xrf1);
	[tilespmem:v41+s7+$0x0] =	vst.idx.add.f32.msk vm6, v21;
	v52 =	vadd.s32 $0x1, v22  }
0x202: {  	v21 =	vld [tilespmem:s19+$0x400];
	(xrf1) =	vunique.msk.u32 $0xffff, v52  }
0x203: {  	v13 =	vcvt.s32.f32 v48;
	[tilespmem:v14+s7+$0x0] =	vst.idx.add.f32.msk vm12, v51;
	v53 =	vadd.s32 $0x1, v12  }
0x204: {  	v54 =	vld [tilespmem:s21+$0x70];
	(xrf1) =	vunique.msk.u32 $0xffff, v53  }
0x205: {  	v20 =	vcvt.s32.f32 v50;
	[tilespmem:v43+s7+$0x0] =	vst.idx.add.f32.msk vm13, v13;
	v55 =	vadd.s32 $0x1, v19  }
0x206: {  	v18 =	vld [tilespmem:s23+$0x60];
	(xrf1) =	vunique.msk.u32 $0xffff, v55  }
0x207: {  	[tilespmem:v16+s7+$0x0] =	vst.idx.add.f32.msk vm14, v20;
	v56 =	vadd.s32 $0x1, v21  }
0x208: {  	v57 =	vld [tilespmem:s24+$0x50];
	(xrf1) =	vunique.msk.u32 $0xffff, v56  }
0x209: {  	v58 =	vadd.s32 $0x1, v54  }
0x20a: {  	(xrf1) =	vunique.msk.u32 $0xffff, v58  }
0x20b: {  	v18 =	vadd.s32 $0x1, v18  }
0x20c: {  	(xrf1) =	vunique.msk.u32 $0xffff, v18  }
0x20d: {  	_, v12, vm5 =	vpop (xrf1);
	v19 =	vadd.s32 $0x1, v57  }
0x20e: {  	(xrf1) =	vunique.msk.u32 $0xffff, v19;
	_, v59, vm15 =	vpop (xrf1);
	_ =	sdelay $0x1  }
0x20f: {  	_, v60, vm12 =	vpop (xrf1)  }
0x210: {  	v21 =	vcvt.s32.f32 v59  }
0x211: {  	_, v61, vm13 =	vpop (xrf1)  }
0x212: {  	v22 =	vcvt.s32.f32 v60  }
0x213: {  	_, v62, vm9 =	vpop (xrf1);
	[tilespmem:v49+s7+$0x0] =	vst.idx.add.f32.msk vm15, v21  }
0x214: {  	v23 =	vcvt.s32.f32 v61;
	v17 =	vld [tilespmem:s12+$0x450]  }
0x215: {  	_, v21, vm6 =	vpop (xrf1);
	[tilespmem:v52+s7+$0x0] =	vst.idx.add.f32.msk vm12, v22  }
0x216: {  	v24 =	vcvt.s32.f32 v62;
	v15 =	vld [tilespmem:s13+$0x440]  }
0x217: {  	_, v22, vm7 =	vpop (xrf1);
	[tilespmem:v53+s7+$0x0] =	vst.idx.add.f32.msk vm13, v23  }
0x218: {  	v14 =	vld [tilespmem:s15+$0x430]  }
0x219: {  	v21 =	vcvt.s32.f32 v21;
	_, v23, vm8 =	vpop (xrf1);
	[tilespmem:v55+s7+$0x0] =	vst.idx.add.f32.msk vm9, v24  }
0x21a: {  	v13 =	vadd.s32 $0x1, v17;
	v63 =	vld [tilespmem:s17+$0x420]  }
0x21b: {  	v22 =	vcvt.s32.f32 v22;
	(xrf1) =	vunique.msk.u32 $0xffff, v13;
	_, v24, vm9 =	vpop (xrf1);
	[tilespmem:v56+s7+$0x0] =	vst.idx.add.f32.msk vm6, v21;
	v15 =	vadd.s32 $0x1, v15  }
0x21c: {  	v16 =	vld [tilespmem:s19+$0x410];
	(xrf1) =	vunique.msk.u32 $0xffff, v15  }
0x21d: {  	v27 =	vcvt.s32.f32 v23;
	[tilespmem:v58+s7+$0x0] =	vst.idx.add.f32.msk vm7, v22;
	v28 =	vadd.s32 $0x1, v14  }
0x21e: {  	v29 =	vld [tilespmem:s21+$0x400];
	(xrf1) =	vunique.msk.u32 $0xffff, v28  }
0x21f: {  	v30 =	vcvt.s32.f32 v24;
	[tilespmem:v18+s7+$0x0] =	vst.idx.add.f32.msk vm8, v27;
	v17 =	vadd.s32 $0x1, v63  }
0x220: {  	v18 =	vld [tilespmem:s23+$0x70];
	(xrf1) =	vunique.msk.u32 $0xffff, v17  }
0x221: {  	[tilespmem:v19+s7+$0x0] =	vst.idx.add.f32.msk vm9, v30;
	v16 =	vadd.s32 $0x1, v16  }
0x222: {  	v19 =	vld [tilespmem:s24+$0x60];
	(xrf1) =	vunique.msk.u32 $0xffff, v16  }
0x223: {  	v31 =	vadd.s32 $0x1, v29  }
0x224: {  	(xrf1) =	vunique.msk.u32 $0xffff, v31  }
0x225: {  	v18 =	vadd.s32 $0x1, v18  }
0x226: {  	(xrf1) =	vunique.msk.u32 $0xffff, v18  }
0x227: {  	v19 =	vadd.s32 $0x1, v19  }
0x228: {  	(xrf1) =	vunique.msk.u32 $0xffff, v19  }
0x229: {  	_, v32, vm6 =	vpop (xrf1)  }
0x22a: {  	_, v33, vm14 =	vpop (xrf1);
	_ =	sdelay $0x1  }
0x22b: {  	_, v34, vm15 =	vpop (xrf1)  }
0x22c: {  	v22 =	vcvt.s32.f32 v33  }
0x22d: {  	_, v35, vm12 =	vpop (xrf1)  }
0x22e: {  	v23 =	vcvt.s32.f32 v34  }
0x22f: {  	_, v25, vm10 =	vpop (xrf1);
	[tilespmem:v15+s7+$0x0] =	vst.idx.add.f32.msk vm14, v22  }
0x230: {  	v24 =	vcvt.s32.f32 v35;
	v15 =	vld [tilespmem:s13+$0x450]  }
0x231: {  	_, v22, vm7 =	vpop (xrf1);
	[tilespmem:v28+s7+$0x0] =	vst.idx.add.f32.msk vm15, v23  }
0x232: {  	v20 =	vld [tilespmem:s15+$0x440]  }
0x233: {  	v25 =	vcvt.s32.f32 v25;
	_, v23, vm8 =	vpop (xrf1);
	[tilespmem:v17+s7+$0x0] =	vst.idx.add.f32.msk vm12, v24  }
0x234: {  	v17 =	vld [tilespmem:s17+$0x430]  }
0x235: {  	v22 =	vcvt.s32.f32 v22;
	_, v24, vm9 =	vpop (xrf1);
	[tilespmem:v16+s7+$0x0] =	vst.idx.add.f32.msk vm10, v25  }
0x236: {  	v15 =	vadd.s32 $0x1, v15;
	v16 =	vld [tilespmem:s19+$0x420]  }
0x237: {  	v23 =	vcvt.s32.f32 v23;
	(xrf1) =	vunique.msk.u32 $0xffff, v15;
	[tilespmem:v31+s7+$0x0] =	vst.idx.add.f32.msk vm7, v22;
	v20 =	vadd.s32 $0x1, v20  }
0x238: {  	v21 =	vld [tilespmem:s21+$0x410];
	(xrf1) =	vunique.msk.u32 $0xffff, v20  }
0x239: {  	v36 =	vcvt.s32.f32 v24;
	[tilespmem:v18+s7+$0x0] =	vst.idx.add.f32.msk vm8, v23;
	v17 =	vadd.s32 $0x1, v17  }
0x23a: {  	v18 =	vld [tilespmem:s23+$0x400];
	(xrf1) =	vunique.msk.u32 $0xffff, v17  }
0x23b: {  	[tilespmem:v19+s7+$0x0] =	vst.idx.add.f32.msk vm9, v36;
	v37 =	vadd.s32 $0x1, v16  }
0x23c: {  	v38 =	vld [tilespmem:s24+$0x70];
	(xrf1) =	vunique.msk.u32 $0xffff, v37  }
0x23d: {  	v21 =	vadd.s32 $0x1, v21  }
0x23e: {  	(xrf1) =	vunique.msk.u32 $0xffff, v21  }
0x23f: {  	v18 =	vadd.s32 $0x1, v18  }
0x240: {  	(xrf1) =	vunique.msk.u32 $0xffff, v18  }
0x241: {  	v39 =	vadd.s32 $0x1, v38  }
0x242: {  	(xrf1) =	vunique.msk.u32 $0xffff, v39;
	_ =	sdelay $0x2  }
0x243: {  	_, v40, vm7 =	vpop (xrf1)  }
0x244: {  	_, v23, vm8 =	vpop (xrf1);
	_ =	sdelay $0x1  }
0x245: {  	_, v41, vm13 =	vpop (xrf1)  }
0x246: {  	v23 =	vcvt.s32.f32 v23  }
0x247: {  	_, v25, vm10 =	vpop (xrf1);
	_ =	sdelay $0x1  }
0x248: {  	v24 =	vcvt.s32.f32 v41;
	_, v26, vm11 =	vpop (xrf1);
	[tilespmem:v20+s7+$0x0] =	vst.idx.add.f32.msk vm8, v23  }
0x249: {  	v20 =	vld [tilespmem:s15+$0x450]  }
0x24a: {  	v25 =	vcvt.s32.f32 v25;
	_, v23, vm8 =	vpop (xrf1);
	[tilespmem:v17+s7+$0x0] =	vst.idx.add.f32.msk vm13, v24  }
0x24b: {  	v24 =	vld [tilespmem:s17+$0x440]  }
0x24c: {  	v42 =	vcvt.s32.f32 v26;
	_, v27, vm14 =	vpop (xrf1);
	[tilespmem:v37+s7+$0x0] =	vst.idx.add.f32.msk vm10, v25  }
0x24d: {  	v19 =	vld [tilespmem:s19+$0x430]  }
0x24e: {  	v23 =	vcvt.s32.f32 v23;
	[tilespmem:v21+s7+$0x0] =	vst.idx.add.f32.msk vm11, v42  }
0x24f: {  	v43 =	vadd.s32 $0x1, v20;
	v44 =	vld [tilespmem:s21+$0x420]  }
0x250: {  	v45 =	vcvt.s32.f32 v27;
	(xrf1) =	vunique.msk.u32 $0xffff, v43;
	[tilespmem:v18+s7+$0x0] =	vst.idx.add.f32.msk vm8, v23;
	v46 =	vadd.s32 $0x1, v24  }
0x251: {  	v23 =	vld [tilespmem:s23+$0x410];
	(xrf1) =	vunique.msk.u32 $0xffff, v46  }
0x252: {  	[tilespmem:v39+s7+$0x0] =	vst.idx.add.f32.msk vm14, v45;
	v19 =	vadd.s32 $0x1, v19  }
0x253: {  	v21 =	vld [tilespmem:s24+$0x400];
	(xrf1) =	vunique.msk.u32 $0xffff, v19  }
0x254: {  	v20 =	vadd.s32 $0x1, v44  }
0x255: {  	(xrf1) =	vunique.msk.u32 $0xffff, v20  }
0x256: {  	v47 =	vadd.s32 $0x1, v23  }
0x257: {  	(xrf1) =	vunique.msk.u32 $0xffff, v47  }
0x258: {  	v21 =	vadd.s32 $0x1, v21  }
0x259: {  	(xrf1) =	vunique.msk.u32 $0xffff, v21;
	_ =	sdelay $0x4  }
0x25a: {  	_, v48, vm8 =	vpop (xrf1)  }
0x25b: {  	_, v49, vm9 =	vpop (xrf1);
	_ =	sdelay $0x1  }
0x25c: {  	_, v25, vm10 =	vpop (xrf1)  }
0x25d: {  	v24 =	vcvt.s32.f32 v49  }
0x25e: {  	_, v50, vm11 =	vpop (xrf1);
	_ =	sdelay $0x1  }
0x25f: {  	v25 =	vcvt.s32.f32 v25;
	_, v51, vm12 =	vpop (xrf1);
	[tilespmem:v46+s7+$0x0] =	vst.idx.add.f32.msk vm9, v24  }
0x260: {  	v18 =	vld [tilespmem:s17+$0x450]  }
0x261: {  	v26 =	vcvt.s32.f32 v50;
	_, v24, vm9 =	vpop (xrf1);
	[tilespmem:v19+s7+$0x0] =	vst.idx.add.f32.msk vm10, v25  }
0x262: {  	v19 =	vld [tilespmem:s19+$0x440]  }
0x263: {  	v52 =	vcvt.s32.f32 v51;
	[tilespmem:v20+s7+$0x0] =	vst.idx.add.f32.msk vm11, v26  }
0x264: {  	v20 =	vld [tilespmem:s21+$0x430]  }
0x265: {  	v24 =	vcvt.s32.f32 v24;
	[tilespmem:v47+s7+$0x0] =	vst.idx.add.f32.msk vm12, v52  }
0x266: {  	v18 =	vadd.s32 $0x1, v18;
	v22 =	vld [tilespmem:s23+$0x420]  }
0x267: {  	(xrf1) =	vunique.msk.u32 $0xffff, v18;
	[tilespmem:v21+s7+$0x0] =	vst.idx.add.f32.msk vm9, v24;
	v19 =	vadd.s32 $0x1, v19  }
0x268: {  	v21 =	vld [tilespmem:s24+$0x410];
	(xrf1) =	vunique.msk.u32 $0xffff, v19  }
0x269: {  	v20 =	vadd.s32 $0x1, v20  }
0x26a: {  	(xrf1) =	vunique.msk.u32 $0xffff, v20  }
0x26b: {  	v22 =	vadd.s32 $0x1, v22  }
0x26c: {  	(xrf1) =	vunique.msk.u32 $0xffff, v22  }
0x26d: {  	v21 =	vadd.s32 $0x1, v21  }
0x26e: {  	(xrf1) =	vunique.msk.u32 $0xffff, v21;
	_ =	sdelay $0x6  }
0x26f: {  	_, v24, vm9 =	vpop (xrf1)  }
0x270: {  	_, v53, vm10 =	vpop (xrf1);
	_ =	sdelay $0x1  }
0x271: {  	_, v26, vm11 =	vpop (xrf1);
	_ =	sdelay $0x1  }
0x272: {  	v25 =	vcvt.s32.f32 v53;
	_, v54, vm12 =	vpop (xrf1);
	_ =	sdelay $0x1  }
0x273: {  	v26 =	vcvt.s32.f32 v26;
	_, v28, vm13 =	vpop (xrf1);
	[tilespmem:v19+s7+$0x0] =	vst.idx.add.f32.msk vm10, v25  }
0x274: {  	v19 =	vld [tilespmem:s19+$0x450]  }
0x275: {  	v55 =	vcvt.s32.f32 v54;
	[tilespmem:v20+s7+$0x0] =	vst.idx.add.f32.msk vm11, v26  }
0x276: {  	v20 =	vld [tilespmem:s21+$0x440]  }
0x277: {  	v56 =	vcvt.s32.f32 v28;
	[tilespmem:v22+s7+$0x0] =	vst.idx.add.f32.msk vm12, v55  }
0x278: {  	v22 =	vld [tilespmem:s23+$0x430]  }
0x279: {  	[tilespmem:v21+s7+$0x0] =	vst.idx.add.f32.msk vm13, v56  }
0x27a: {  	v19 =	vadd.s32 $0x1, v19;
	v21 =	vld [tilespmem:s24+$0x420]  }
0x27b: {  	(xrf1) =	vunique.msk.u32 $0xffff, v19;
	v20 =	vadd.s32 $0x1, v20  }
0x27c: {  	(xrf1) =	vunique.msk.u32 $0xffff, v20  }
0x27d: {  	v22 =	vadd.s32 $0x1, v22  }
0x27e: {  	(xrf1) =	vunique.msk.u32 $0xffff, v22  }
0x27f: {  	v21 =	vadd.s32 $0x1, v21  }
0x280: {  	(xrf1) =	vunique.msk.u32 $0xffff, v21;
	_ =	sdelay $0x8  }
0x281: {  	_, v57, vm10 =	vpop (xrf1)  }
0x282: {  	_, v58, vm11 =	vpop (xrf1);
	_ =	sdelay $0x1  }
0x283: {  	_, v59, vm12 =	vpop (xrf1);
	_ =	sdelay $0x1  }
0x284: {  	v26 =	vcvt.s32.f32 v58;
	_, v60, vm13 =	vpop (xrf1);
	_ =	sdelay $0x1  }
0x285: {  	v27 =	vcvt.s32.f32 v59;
	[tilespmem:v20+s7+$0x0] =	vst.idx.add.f32.msk vm11, v26  }
0x286: {  	v20 =	vld [tilespmem:s21+$0x450]  }
0x287: {  	v61 =	vcvt.s32.f32 v60;
	[tilespmem:v22+s7+$0x0] =	vst.idx.add.f32.msk vm12, v27  }
0x288: {  	v22 =	vld [tilespmem:s23+$0x440]  }
0x289: {  	[tilespmem:v21+s7+$0x0] =	vst.idx.add.f32.msk vm13, v61  }
0x28a: {  	v21 =	vld [tilespmem:s24+$0x430];
	_ =	sdelay $0x1  }
0x28b: {  	v20 =	vadd.s32 $0x1, v20  }
0x28c: {  	(xrf1) =	vunique.msk.u32 $0xffff, v20;
	v22 =	vadd.s32 $0x1, v22  }
0x28d: {  	(xrf1) =	vunique.msk.u32 $0xffff, v22  }
0x28e: {  	v21 =	vadd.s32 $0x1, v21  }
0x28f: {  	(xrf1) =	vunique.msk.u32 $0xffff, v21;
	_ =	sdelay $0xa  }
0x290: {  	_, v62, vm11 =	vpop (xrf1)  }
0x291: {  	_, v27, vm12 =	vpop (xrf1);
	_ =	sdelay $0x1  }
0x292: {  	_, v63, vm13 =	vpop (xrf1);
	_ =	sdelay $0x1  }
0x293: {  	v27 =	vcvt.s32.f32 v27;
	_ =	sdelay $0x1  }
0x294: {  	v28 =	vcvt.s32.f32 v63;
	[tilespmem:v22+s7+$0x0] =	vst.idx.add.f32.msk vm12, v27  }
0x295: {  	v22 =	vld [tilespmem:s23+$0x450]  }
0x296: {  	[tilespmem:v21+s7+$0x0] =	vst.idx.add.f32.msk vm13, v28  }
0x297: {  	v21 =	vld [tilespmem:s24+$0x440];
	_ =	sdelay $0x3  }
0x298: {  	v22 =	vadd.s32 $0x1, v22  }
0x299: {  	(xrf1) =	vunique.msk.u32 $0xffff, v22;
	v21 =	vadd.s32 $0x1, v21  }
0x29a: {  	(xrf1) =	vunique.msk.u32 $0xffff, v21;
	_ =	sdelay $0xc  }
0x29b: {  	_, v27, vm12 =	vpop (xrf1)  }
0x29c: {  	_, v28, vm13 =	vpop (xrf1);
	_ =	sdelay $0x3  }
0x29d: {  	v28 =	vcvt.s32.f32 v28;
	_ =	sdelay $0x1  }
0x29e: {  	[tilespmem:v21+s7+$0x0] =	vst.idx.add.f32.msk vm13, v28  }
0x29f: {  	v21 =	vld [tilespmem:s24+$0x450];
	_ =	sdelay $0x4  }
0x2a0: {  	v21 =	vadd.s32 $0x1, v21  }
0x2a1: {  	(xrf1) =	vunique.msk.u32 $0xffff, v21;
	_ =	sdelay $0x5  }
0x2a2: {  	v4 =	vcvt.s32.f32 v4  }
0x2a3: {  	[tilespmem:v1+s7+$0x0] =	vst.idx.add.f32.msk vm0, v2;
	v1 =	vcvt.s32.f32 v6  }
0x2a4: {  	[tilespmem:v3+s7+$0x0] =	vst.idx.add.f32.msk vm1, v4;
	v2 =	vcvt.s32.f32 v8  }
0x2a5: {  	[tilespmem:v5+s7+$0x0] =	vst.idx.add.f32.msk vm2, v1;
	v1 =	vcvt.s32.f32 v10  }
0x2a6: {  	[tilespmem:v7+s7+$0x0] =	vst.idx.add.f32.msk vm3, v2;
	v2 =	vcvt.s32.f32 v12  }
0x2a7: {  	[tilespmem:v9+s7+$0x0] =	vst.idx.add.f32.msk vm4, v1;
	v1 =	vcvt.s32.f32 v32  }
0x2a8: {  	[tilespmem:v11+s7+$0x0] =	vst.idx.add.f32.msk vm5, v2;
	v2 =	vcvt.s32.f32 v40  }
0x2a9: {  	[tilespmem:v13+s7+$0x0] =	vst.idx.add.f32.msk vm6, v1;
	v1 =	vcvt.s32.f32 v48  }
0x2aa: {  	[tilespmem:v15+s7+$0x0] =	vst.idx.add.f32.msk vm7, v2;
	v2 =	vcvt.s32.f32 v24;
	_, v3, vm15 =	vpop (xrf1)  }
0x2ab: {  	[tilespmem:v43+s7+$0x0] =	vst.idx.add.f32.msk vm8, v1;
	v1 =	vcvt.s32.f32 v57  }
0x2ac: {  	[tilespmem:v18+s7+$0x0] =	vst.idx.add.f32.msk vm9, v2;
	v2 =	vcvt.s32.f32 v62  }
0x2ad: {  	[tilespmem:v19+s7+$0x0] =	vst.idx.add.f32.msk vm10, v1;
	v1 =	vcvt.s32.f32 v27  }
0x2ae: {  	s11 =	sadd.s32 $0x1, s11;
	[tilespmem:v20+s7+$0x0] =	vst.idx.add.f32.msk vm11, v2;
	v2 =	vcvt.s32.f32 v3  }
0x2af: {  	p0 =	sne.s32 s11, s5;
	[tilespmem:v22+s7+$0x0] =	vst.idx.add.f32.msk vm12, v1  }
.Ltmp2:
0x2b0: {  	[tilespmem:v21+s7+$0x0] =	vst.idx.add.f32.msk vm15, v2;
	(pc) =	sbr.rel @p0 .LBB2_1-.Ltmp2, $4  }
0x2b1: {  	[hbm4b:s4+s8] =	stream.strided.scatter [tilespmem:s7], [sflag:$0x2], $0x18800, s9, s8, $0x38;
	[tilespmem:$0x1F800] =	vst v63  }
0x2b2: {  	_ =	swait.ge [sflag:s10], $0x18800  }
0x2b3: {  	[sflag:s10] =	ssyncset.done $0x0  }
0x2b4: {  	[sflag:s10] =	ssyncadd.s32 $0xFFFE7800  }
0x2b5: {  	_ =	sfence.sel $0x180000  }
0x2b6: {  	[bflag:$0x0] =	sbarrier.arrive $0xFFFF  }
0x2b7: {  	p0 =	sne.s32 s1, $0x0;
	_ =	strace $0x90000047  }
0x2b8: {  	s0 =	sadd.s32 @!p0 $0x100000, s0;
	[bflag:$0x2] =	sbarrier.arrive $0xFFFF  }
0x2b9: {  	[sflag:s0] =	ssyncadd.tile.s32 @!p0 $0x1;
	_ =	shalt  }
.Lfunc_end2:
_tile_overlayer_lowered:
.L_overlay_start_2:
0x2ba: {  	(tag) =	ssettag $0x2  }
0x2bb: {  	s0 =	rddreg [dreg:$0x0];
	s2 =	stileid.u32  }
0x2bc: {  	s1 =	rddreg [dreg:$0x1];
	p0 =	sne.s32 s2, $0x0  }
0x2bd: {  	s3 =	rddreg [dreg:$0x2];
	[bflag:$0x3] =	sbarrier.arrive $0xFFFF;
	s2 =	simm.s32 @!p0 $0x1C02  }
0x2be: {  	[timem:s3], [sflag:s2] =	dma.local @!p0 [hbm:s0], s1  }
0x2bf: {  	s0 =	simm.s32 @!p0 $0x2  }
0x2c0: {  	_ =	swait.ge @!p0 [sflag:s0], s1  }
0x2c1: {  	s1 =	ssub.s32 @!p0 $0x0, s1;
	[sflag:s0] =	ssyncset.done @!p0 $0x0  }
0x2c2: {  	[sflag:s0] =	ssyncadd.s32 @!p0 s1  }
0x2c3: {  	[bflag:$0x3] =	sbarrier.arrive $0xFFFF  }
0x2c4: {  	_ =	shalt  }

</sc_bundles>
